<compile_context>
chip_gen: v7x
topology: tpu7x:2x2x1
jax: 0.10.2.dev20260603
libtpu: 0.0.44.dev20260713+nightly
codegen_flags: <defaults>
</compile_context>

<pallas_src>
import functools

import jax
import jax.numpy as jnp
from jax import lax
from jax.experimental import pallas as pl
from jax.experimental.pallas import tpu as pltpu
from jax.experimental.pallas import tpu_sc as plsc

NC = 2
NS = 16
NW = NC * NS
CH = 32
UNROLL = 8
L = 16


def _sc_add_body(x_hbm, p_hbm, out_hbm, xbuf, pbuf):
    n = x_hbm.shape[0]
    S_D = p_hbm.shape[0]
    span = n // NW
    wid = lax.axis_index("s") * NC + lax.axis_index("c")
    base = wid * span
    chunk = CH * 1024
    for i in range(span // chunk):
        b0 = base + i * chunk
        tb0 = lax.rem(b0, S_D)
        pltpu.sync_copy(x_hbm.at[pl.ds(b0, chunk)], xbuf)
        pltpu.sync_copy(p_hbm.at[pl.ds(tb0, chunk)], pbuf)

        def body(j, _):
            off = j * (L * UNROLL)
            for u in range(UNROLL):
                o = off + u * L
                xbuf[pl.ds(o, L)] = xbuf[pl.ds(o, L)] + pbuf[pl.ds(o, L)]
            return 0

        lax.fori_loop(0, chunk // (L * UNROLL), body, 0)
        pltpu.sync_copy(xbuf, out_hbm.at[pl.ds(b0, chunk)])


def kernel(inputs, pos_table):
    B, S, D = inputs.shape
    x = inputs.reshape(B * S * D)
    p = pos_table.reshape(S * D)
    mesh = plsc.VectorSubcoreMesh(core_axis_name="c", subcore_axis_name="s")
    sc_add = functools.partial(
        pl.kernel,
        mesh=mesh,
        out_type=jax.ShapeDtypeStruct((B * S * D,), jnp.float32),
        scratch_types=[
            pltpu.VMEM((CH * 1024,), jnp.float32),
            pltpu.VMEM((CH * 1024,), jnp.float32),
        ],
    )(_sc_add_body)
    out = sc_add(x, p)
    return out.reshape(B, S, D)

# --- scband reference (transcript-rebuilt; emitter-appended) ---
"""Pipeline reference for scband-learnable-position-embedding-68564857914091 (READ-ONLY COPY).

The authoritative reference and input builder live on the scoring server;
editing this copy changes nothing except your own understanding.
"""

import jax, jax.numpy as jnp
import numpy as np

MAX_LENGTH = 2048
D_MODEL = 1024

def setup_inputs(seed: int = 0) -> dict:
    key = jax.random.key(seed)
    k1, k2 = jax.random.split(key)
    inputs = jax.random.normal(k1, (4, 2048, D_MODEL), dtype=jnp.float32)
    # learned position embedding table, Embedding(input_dim=max_length, output_dim=d_model)
    pos_table = jax.random.normal(k2, (MAX_LENGTH, D_MODEL), dtype=jnp.float32) * 0.02
    return {"inputs": inputs, "pos_table": pos_table}

def reference(inputs, pos_table):
    seq_length = inputs.shape[1]
    positions = jnp.arange(seq_length)
    pos_emb = jnp.take(pos_table, positions, axis=0)  # gather rows [S, d_model]
    return inputs + pos_emb[None, :, :]

if __name__ == "__main__":
    import jax
    _d = setup_inputs()
    print(jax.jit(kernel)(*tuple(_d.values())))

</pallas_src>

<mosaic_0001>
#map = affine_map<(d0, d1) -> (0)>
module attributes {stable_mosaic.version = 14 : i64} {
  func.func @_sc_add_body(%arg0: i32, %arg1: i32, %arg2: memref<8388608xf32, #tpu.memory_space<hbm>>, %arg3: memref<2097152xf32, #tpu.memory_space<hbm>>, %arg4: memref<8388608xf32, #tpu.memory_space<hbm>>, %arg5: memref<32768xf32, #tpu.memory_space<vmem>>, %arg6: memref<32768xf32, #tpu.memory_space<vmem>>) attributes {dimension_semantics = [#tpu.dimension_semantics<core_parallel>, #tpu.dimension_semantics<subcore_parallel>], iteration_bounds = array<i64: 2, 16>, scalar_prefetch = 0 : i64, scratch_operands = 2 : i64, tpu.core_type = #tpu.core_type<sc_vector_subcore>, window_params = [{transform_indices = #map}, {transform_indices = #map}, {transform_indices = #map}]} {
    %mul3A = arith.constant 2 : i32
    %mul3A_0 = arith.muli %arg1, %mul3A : i32
    %add3A = arith.addi %mul3A_0, %arg0 : i32
    %mul3A_1 = arith.constant 262144 : i32
    %mul3A_2 = arith.muli %add3A, %mul3A_1 : i32
    %add3A_3 = arith.constant 0 : i32
    %add3A_4 = arith.addi %mul3A_2, %add3A_3 : i32
    %rem3A = arith.constant 2097152 : i32
    %rem3A_5 = arith.remsi %add3A_4, %rem3A : i32
    "tpu.region"() ({
      %run_scoped3A = tpu.sem_alloc : memref<!tpu.dma_semaphore, #tpu.memory_space<semaphore_mem>>
      %dma_start3A = tpu.memref_slice %arg2[%add3A_4] : memref<8388608xf32, #tpu.memory_space<hbm>> -> memref<32768xf32, #tpu.memory_space<hbm>>
      %dma_start3A_89 = tpu.memref_slice %arg2[%add3A_4] : memref<8388608xf32, #tpu.memory_space<hbm>> -> memref<32768xf32, #tpu.memory_space<hbm>>
      tpu.enqueue_dma source(%dma_start3A_89 : memref<32768xf32, #tpu.memory_space<hbm>>) target(%arg5 : memref<32768xf32, #tpu.memory_space<vmem>>) target_semaphore(%run_scoped3A : memref<!tpu.dma_semaphore, #tpu.memory_space<semaphore_mem>>)
      %dma_wait3A = tpu.memref_slice %arg2[%add3A_4] : memref<8388608xf32, #tpu.memory_space<hbm>> -> memref<32768xf32, #tpu.memory_space<hbm>>
      %dma_wait3A_90 = tpu.memref_slice %arg2[%add3A_4] : memref<8388608xf32, #tpu.memory_space<hbm>> -> memref<32768xf32, #tpu.memory_space<hbm>>
      tpu.wait_dma2 semaphore(%run_scoped3A : memref<!tpu.dma_semaphore, #tpu.memory_space<semaphore_mem>>) src(%dma_wait3A_90 : memref<32768xf32, #tpu.memory_space<hbm>>) dst(%arg5 : memref<32768xf32, #tpu.memory_space<vmem>>)
      tpu.yield
    }) : () -> ()
    "tpu.region"() ({
      %run_scoped3A = tpu.sem_alloc : memref<!tpu.dma_semaphore, #tpu.memory_space<semaphore_mem>>
      %dma_start3A = tpu.memref_slice %arg3[%rem3A_5] : memref<2097152xf32, #tpu.memory_space<hbm>> -> memref<32768xf32, #tpu.memory_space<hbm>>
      %dma_start3A_89 = tpu.memref_slice %arg3[%rem3A_5] : memref<2097152xf32, #tpu.memory_space<hbm>> -> memref<32768xf32, #tpu.memory_space<hbm>>
      tpu.enqueue_dma source(%dma_start3A_89 : memref<32768xf32, #tpu.memory_space<hbm>>) target(%arg6 : memref<32768xf32, #tpu.memory_space<vmem>>) target_semaphore(%run_scoped3A : memref<!tpu.dma_semaphore, #tpu.memory_space<semaphore_mem>>)
      %dma_wait3A = tpu.memref_slice %arg3[%rem3A_5] : memref<2097152xf32, #tpu.memory_space<hbm>> -> memref<32768xf32, #tpu.memory_space<hbm>>
      %dma_wait3A_90 = tpu.memref_slice %arg3[%rem3A_5] : memref<2097152xf32, #tpu.memory_space<hbm>> -> memref<32768xf32, #tpu.memory_space<hbm>>
      tpu.wait_dma2 semaphore(%run_scoped3A : memref<!tpu.dma_semaphore, #tpu.memory_space<semaphore_mem>>) src(%dma_wait3A_90 : memref<32768xf32, #tpu.memory_space<hbm>>) dst(%arg6 : memref<32768xf32, #tpu.memory_space<vmem>>)
      tpu.yield
    }) : () -> ()
    %scan3A = arith.constant 0 : i32
    %scan3A_6 = arith.constant 0 : i32
    %scan3A_7 = arith.constant 256 : i32
    %scan3A_8 = arith.addi %scan3A_6, %scan3A_7 : i32
    %scan3A_9 = arith.constant 1 : i32
    %scan3A_10 = scf.for %scan3A_89 = %scan3A_6 to %scan3A_8 step %scan3A_9 iter_args(%scan3A_90 = %scan3A) -> (i32)  : i32 {
      %mul3A_91 = arith.constant 128 : i32
      %mul3A_92 = arith.muli %scan3A_89, %mul3A_91 : i32
      %add3A_93 = arith.constant 0 : i32
      %add3A_94 = arith.addi %mul3A_92, %add3A_93 : i32
      %get3A = arith.index_cast %add3A_94 : i32 to index
      %get3A_95 = tpu.vector_load %arg5[%get3A] {strides = array<i32>} : memref<32768xf32, #tpu.memory_space<vmem>>, vector<16xf32>,
      %get3A_96 = vector.shape_cast %get3A_95 : vector<16xf32> to vector<16xf32>
      %get3A_97 = arith.index_cast %add3A_94 : i32 to index
      %get3A_98 = tpu.vector_load %arg6[%get3A_97] {strides = array<i32>} : memref<32768xf32, #tpu.memory_space<vmem>>, vector<16xf32>,
      %get3A_99 = vector.shape_cast %get3A_98 : vector<16xf32> to vector<16xf32>
      %add3A_100 = arith.addf %get3A_96, %get3A_99 : vector<16xf32>
      %swap3A = arith.index_cast %add3A_94 : i32 to index
      %swap3A_101 = tpu.vector_load %arg5[%swap3A] {strides = array<i32>} : memref<32768xf32, #tpu.memory_space<vmem>>, vector<16xf32>,
      %swap3A_102 = vector.shape_cast %swap3A_101 : vector<16xf32> to vector<16xf32>
      %swap3A_103 = vector.shape_cast %add3A_100 : vector<16xf32> to vector<16xf32>
      tpu.vector_store %arg5[%swap3A], %swap3A_103 {strides = array<i32>} : memref<32768xf32, #tpu.memory_space<vmem>>, vector<16xf32>,
      %add3A_104 = arith.constant 16 : i32
      %add3A_105 = arith.addi %mul3A_92, %add3A_104 : i32
      %get3A_106 = arith.index_cast %add3A_105 : i32 to index
      %get3A_107 = tpu.vector_load %arg5[%get3A_106] {strides = array<i32>} : memref<32768xf32, #tpu.memory_space<vmem>>, vector<16xf32>,
      %get3A_108 = vector.shape_cast %get3A_107 : vector<16xf32> to vector<16xf32>
      %get3A_109 = arith.index_cast %add3A_105 : i32 to index
      %get3A_110 = tpu.vector_load %arg6[%get3A_109] {strides = array<i32>} : memref<32768xf32, #tpu.memory_space<vmem>>, vector<16xf32>,
      %get3A_111 = vector.shape_cast %get3A_110 : vector<16xf32> to vector<16xf32>
      %add3A_112 = arith.addf %get3A_108, %get3A_111 : vector<16xf32>
      %swap3A_113 = arith.index_cast %add3A_105 : i32 to index
      %swap3A_114 = tpu.vector_load %arg5[%swap3A_113] {strides = array<i32>} : memref<32768xf32, #tpu.memory_space<vmem>>, vector<16xf32>,
      %swap3A_115 = vector.shape_cast %swap3A_114 : vector<16xf32> to vector<16xf32>
      %swap3A_116 = vector.shape_cast %add3A_112 : vector<16xf32> to vector<16xf32>
      tpu.vector_store %arg5[%swap3A_113], %swap3A_116 {strides = array<i32>} : memref<32768xf32, #tpu.memory_space<vmem>>, vector<16xf32>,
      %add3A_117 = arith.constant 32 : i32
      %add3A_118 = arith.addi %mul3A_92, %add3A_117 : i32
      %get3A_119 = arith.index_cast %add3A_118 : i32 to index
      %get3A_120 = tpu.vector_load %arg5[%get3A_119] {strides = array<i32>} : memref<32768xf32, #tpu.memory_space<vmem>>, vector<16xf32>,
      %get3A_121 = vector.shape_cast %get3A_120 : vector<16xf32> to vector<16xf32>
      %get3A_122 = arith.index_cast %add3A_118 : i32 to index
      %get3A_123 = tpu.vector_load %arg6[%get3A_122] {strides = array<i32>} : memref<32768xf32, #tpu.memory_space<vmem>>, vector<16xf32>,
      %get3A_124 = vector.shape_cast %get3A_123 : vector<16xf32> to vector<16xf32>
      %add3A_125 = arith.addf %get3A_121, %get3A_124 : vector<16xf32>
      %swap3A_126 = arith.index_cast %add3A_118 : i32 to index
      %swap3A_127 = tpu.vector_load %arg5[%swap3A_126] {strides = array<i32>} : memref<32768xf32, #tpu.memory_space<vmem>>, vector<16xf32>,
      %swap3A_128 = vector.shape_cast %swap3A_127 : vector<16xf32> to vector<16xf32>
      %swap3A_129 = vector.shape_cast %add3A_125 : vector<16xf32> to vector<16xf32>
      tpu.vector_store %arg5[%swap3A_126], %swap3A_129 {strides = array<i32>} : memref<32768xf32, #tpu.memory_space<vmem>>, vector<16xf32>,
      %add3A_130 = arith.constant 48 : i32
      %add3A_131 = arith.addi %mul3A_92, %add3A_130 : i32
      %get3A_132 = arith.index_cast %add3A_131 : i32 to index
      %get3A_133 = tpu.vector_load %arg5[%get3A_132] {strides = array<i32>} : memref<32768xf32, #tpu.memory_space<vmem>>, vector<16xf32>,
      %get3A_134 = vector.shape_cast %get3A_133 : vector<16xf32> to vector<16xf32>
      %get3A_135 = arith.index_cast %add3A_131 : i32 to index
      %get3A_136 = tpu.vector_load %arg6[%get3A_135] {strides = array<i32>} : memref<32768xf32, #tpu.memory_space<vmem>>, vector<16xf32>,
      %get3A_137 = vector.shape_cast %get3A_136 : vector<16xf32> to vector<16xf32>
      %add3A_138 = arith.addf %get3A_134, %get3A_137 : vector<16xf32>
      %swap3A_139 = arith.index_cast %add3A_131 : i32 to index
      %swap3A_140 = tpu.vector_load %arg5[%swap3A_139] {strides = array<i32>} : memref<32768xf32, #tpu.memory_space<vmem>>, vector<16xf32>,
      %swap3A_141 = vector.shape_cast %swap3A_140 : vector<16xf32> to vector<16xf32>
      %swap3A_142 = vector.shape_cast %add3A_138 : vector<16xf32> to vector<16xf32>
      tpu.vector_store %arg5[%swap3A_139], %swap3A_142 {strides = array<i32>} : memref<32768xf32, #tpu.memory_space<vmem>>, vector<16xf32>,
      %add3A_143 = arith.constant 64 : i32
      %add3A_144 = arith.addi %mul3A_92, %add3A_143 : i32
      %get3A_145 = arith.index_cast %add3A_144 : i32 to index
      %get3A_146 = tpu.vector_load %arg5[%get3A_145] {strides = array<i32>} : memref<32768xf32, #tpu.memory_space<vmem>>, vector<16xf32>,
      %get3A_147 = vector.shape_cast %get3A_146 : vector<16xf32> to vector<16xf32>
      %get3A_148 = arith.index_cast %add3A_144 : i32 to index
      %get3A_149 = tpu.vector_load %arg6[%get3A_148] {strides = array<i32>} : memref<32768xf32, #tpu.memory_space<vmem>>, vector<16xf32>,
      %get3A_150 = vector.shape_cast %get3A_149 : vector<16xf32> to vector<16xf32>
      %add3A_151 = arith.addf %get3A_147, %get3A_150 : vector<16xf32>
      %swap3A_152 = arith.index_cast %add3A_144 : i32 to index
      %swap3A_153 = tpu.vector_load %arg5[%swap3A_152] {strides = array<i32>} : memref<32768xf32, #tpu.memory_space<vmem>>, vector<16xf32>,
      %swap3A_154 = vector.shape_cast %swap3A_153 : vector<16xf32> to vector<16xf32>
      %swap3A_155 = vector.shape_cast %add3A_151 : vector<16xf32> to vector<16xf32>
      tpu.vector_store %arg5[%swap3A_152], %swap3A_155 {strides = array<i32>} : memref<32768xf32, #tpu.memory_space<vmem>>, vector<16xf32>,
      %add3A_156 = arith.constant 80 : i32
      %add3A_157 = arith.addi %mul3A_92, %add3A_156 : i32
      %get3A_158 = arith.index_cast %add3A_157 : i32 to index
      %get3A_159 = tpu.vector_load %arg5[%get3A_158] {strides = array<i32>} : memref<32768xf32, #tpu.memory_space<vmem>>, vector<16xf32>,
      %get3A_160 = vector.shape_cast %get3A_159 : vector<16xf32> to vector<16xf32>
      %get3A_161 = arith.index_cast %add3A_157 : i32 to index
      %get3A_162 = tpu.vector_load %arg6[%get3A_161] {strides = array<i32>} : memref<32768xf32, #tpu.memory_space<vmem>>, vector<16xf32>,
      %get3A_163 = vector.shape_cast %get3A_162 : vector<16xf32> to vector<16xf32>
      %add3A_164 = arith.addf %get3A_160, %get3A_163 : vector<16xf32>
      %swap3A_165 = arith.index_cast %add3A_157 : i32 to index
      %swap3A_166 = tpu.vector_load %arg5[%swap3A_165] {strides = array<i32>} : memref<32768xf32, #tpu.memory_space<vmem>>, vector<16xf32>,
      %swap3A_167 = vector.shape_cast %swap3A_166 : vector<16xf32> to vector<16xf32>
      %swap3A_168 = vector.shape_cast %add3A_164 : vector<16xf32> to vector<16xf32>
      tpu.vector_store %arg5[%swap3A_165], %swap3A_168 {strides = array<i32>} : memref<32768xf32, #tpu.memory_space<vmem>>, vector<16xf32>,
      %add3A_169 = arith.constant 96 : i32
      %add3A_170 = arith.addi %mul3A_92, %add3A_169 : i32
      %get3A_171 = arith.index_cast %add3A_170 : i32 to index
      %get3A_172 = tpu.vector_load %arg5[%get3A_171] {strides = array<i32>} : memref<32768xf32, #tpu.memory_space<vmem>>, vector<16xf32>,
      %get3A_173 = vector.shape_cast %get3A_172 : vector<16xf32> to vector<16xf32>
      %get3A_174 = arith.index_cast %add3A_170 : i32 to index
      %get3A_175 = tpu.vector_load %arg6[%get3A_174] {strides = array<i32>} : memref<32768xf32, #tpu.memory_space<vmem>>, vector<16xf32>,
      %get3A_176 = vector.shape_cast %get3A_175 : vector<16xf32> to vector<16xf32>
      %add3A_177 = arith.addf %get3A_173, %get3A_176 : vector<16xf32>
      %swap3A_178 = arith.index_cast %add3A_170 : i32 to index
      %swap3A_179 = tpu.vector_load %arg5[%swap3A_178] {strides = array<i32>} : memref<32768xf32, #tpu.memory_space<vmem>>, vector<16xf32>,
      %swap3A_180 = vector.shape_cast %swap3A_179 : vector<16xf32> to vector<16xf32>
      %swap3A_181 = vector.shape_cast %add3A_177 : vector<16xf32> to vector<16xf32>
      tpu.vector_store %arg5[%swap3A_178], %swap3A_181 {strides = array<i32>} : memref<32768xf32, #tpu.memory_space<vmem>>, vector<16xf32>,
      %add3A_182 = arith.constant 112 : i32
      %add3A_183 = arith.addi %mul3A_92, %add3A_182 : i32
      %get3A_184 = arith.index_cast %add3A_183 : i32 to index
      %get3A_185 = tpu.vector_load %arg5[%get3A_184] {strides = array<i32>} : memref<32768xf32, #tpu.memory_space<vmem>>, vector<16xf32>,
      %get3A_186 = vector.shape_cast %get3A_185 : vector<16xf32> to vector<16xf32>
      %get3A_187 = arith.index_cast %add3A_183 : i32 to index
      %get3A_188 = tpu.vector_load %arg6[%get3A_187] {strides = array<i32>} : memref<32768xf32, #tpu.memory_space<vmem>>, vector<16xf32>,
      %get3A_189 = vector.shape_cast %get3A_188 : vector<16xf32> to vector<16xf32>
      %add3A_190 = arith.addf %get3A_186, %get3A_189 : vector<16xf32>
      %swap3A_191 = arith.index_cast %add3A_183 : i32 to index
      %swap3A_192 = tpu.vector_load %arg5[%swap3A_191] {strides = array<i32>} : memref<32768xf32, #tpu.memory_space<vmem>>, vector<16xf32>,
      %swap3A_193 = vector.shape_cast %swap3A_192 : vector<16xf32> to vector<16xf32>
      %swap3A_194 = vector.shape_cast %add3A_190 : vector<16xf32> to vector<16xf32>
      tpu.vector_store %arg5[%swap3A_191], %swap3A_194 {strides = array<i32>} : memref<32768xf32, #tpu.memory_space<vmem>>, vector<16xf32>,
      %scan3A_195 = arith.constant 0 : i32
      scf.yield %scan3A_195 : i32
    }
    %scan3A_11 = arith.constant 256 : i32
    "tpu.region"() ({
      %run_scoped3A = tpu.sem_alloc : memref<!tpu.dma_semaphore, #tpu.memory_space<semaphore_mem>>
      %dma_start3A = tpu.memref_slice %arg4[%add3A_4] : memref<8388608xf32, #tpu.memory_space<hbm>> -> memref<32768xf32, #tpu.memory_space<hbm>>
      %dma_start3A_89 = tpu.memref_slice %arg4[%add3A_4] : memref<8388608xf32, #tpu.memory_space<hbm>> -> memref<32768xf32, #tpu.memory_space<hbm>>
      tpu.enqueue_dma source(%arg5 : memref<32768xf32, #tpu.memory_space<vmem>>) target(%dma_start3A_89 : memref<32768xf32, #tpu.memory_space<hbm>>) target_semaphore(%run_scoped3A : memref<!tpu.dma_semaphore, #tpu.memory_space<semaphore_mem>>)
      %dma_wait3A = tpu.memref_slice %arg4[%add3A_4] : memref<8388608xf32, #tpu.memory_space<hbm>> -> memref<32768xf32, #tpu.memory_space<hbm>>
      %dma_wait3A_90 = tpu.memref_slice %arg4[%add3A_4] : memref<8388608xf32, #tpu.memory_space<hbm>> -> memref<32768xf32, #tpu.memory_space<hbm>>
      tpu.wait_dma2 semaphore(%run_scoped3A : memref<!tpu.dma_semaphore, #tpu.memory_space<semaphore_mem>>) src(%arg5 : memref<32768xf32, #tpu.memory_space<vmem>>) dst(%dma_wait3A_90 : memref<32768xf32, #tpu.memory_space<hbm>>)
      tpu.yield
    }) : () -> ()
    %add3A_12 = arith.constant 32768 : i32
    %add3A_13 = arith.addi %mul3A_2, %add3A_12 : i32
    %rem3A_14 = arith.constant 2097152 : i32
    %rem3A_15 = arith.remsi %add3A_13, %rem3A_14 : i32
    "tpu.region"() ({
      %run_scoped3A = tpu.sem_alloc : memref<!tpu.dma_semaphore, #tpu.memory_space<semaphore_mem>>
      %dma_start3A = tpu.memref_slice %arg2[%add3A_13] : memref<8388608xf32, #tpu.memory_space<hbm>> -> memref<32768xf32, #tpu.memory_space<hbm>>
      %dma_start3A_89 = tpu.memref_slice %arg2[%add3A_13] : memref<8388608xf32, #tpu.memory_space<hbm>> -> memref<32768xf32, #tpu.memory_space<hbm>>
      tpu.enqueue_dma source(%dma_start3A_89 : memref<32768xf32, #tpu.memory_space<hbm>>) target(%arg5 : memref<32768xf32, #tpu.memory_space<vmem>>) target_semaphore(%run_scoped3A : memref<!tpu.dma_semaphore, #tpu.memory_space<semaphore_mem>>)
      %dma_wait3A = tpu.memref_slice %arg2[%add3A_13] : memref<8388608xf32, #tpu.memory_space<hbm>> -> memref<32768xf32, #tpu.memory_space<hbm>>
      %dma_wait3A_90 = tpu.memref_slice %arg2[%add3A_13] : memref<8388608xf32, #tpu.memory_space<hbm>> -> memref<32768xf32, #tpu.memory_space<hbm>>
      tpu.wait_dma2 semaphore(%run_scoped3A : memref<!tpu.dma_semaphore, #tpu.memory_space<semaphore_mem>>) src(%dma_wait3A_90 : memref<32768xf32, #tpu.memory_space<hbm>>) dst(%arg5 : memref<32768xf32, #tpu.memory_space<vmem>>)
      tpu.yield
    }) : () -> ()
    "tpu.region"() ({
      %run_scoped3A = tpu.sem_alloc : memref<!tpu.dma_semaphore, #tpu.memory_space<semaphore_mem>>
      %dma_start3A = tpu.memref_slice %arg3[%rem3A_15] : memref<2097152xf32, #tpu.memory_space<hbm>> -> memref<32768xf32, #tpu.memory_space<hbm>>
      %dma_start3A_89 = tpu.memref_slice %arg3[%rem3A_15] : memref<2097152xf32, #tpu.memory_space<hbm>> -> memref<32768xf32, #tpu.memory_space<hbm>>
      tpu.enqueue_dma source(%dma_start3A_89 : memref<32768xf32, #tpu.memory_space<hbm>>) target(%arg6 : memref<32768xf32, #tpu.memory_space<vmem>>) target_semaphore(%run_scoped3A : memref<!tpu.dma_semaphore, #tpu.memory_space<semaphore_mem>>)
      %dma_wait3A = tpu.memref_slice %arg3[%rem3A_15] : memref<2097152xf32, #tpu.memory_space<hbm>> -> memref<32768xf32, #tpu.memory_space<hbm>>
      %dma_wait3A_90 = tpu.memref_slice %arg3[%rem3A_15] : memref<2097152xf32, #tpu.memory_space<hbm>> -> memref<32768xf32, #tpu.memory_space<hbm>>
      tpu.wait_dma2 semaphore(%run_scoped3A : memref<!tpu.dma_semaphore, #tpu.memory_space<semaphore_mem>>) src(%dma_wait3A_90 : memref<32768xf32, #tpu.memory_space<hbm>>) dst(%arg6 : memref<32768xf32, #tpu.memory_space<vmem>>)
      tpu.yield
    }) : () -> ()
    %scan3A_16 = arith.constant 0 : i32
    %scan3A_17 = arith.constant 0 : i32
    %scan3A_18 = arith.constant 256 : i32
    %scan3A_19 = arith.addi %scan3A_17, %scan3A_18 : i32
    %scan3A_20 = arith.constant 1 : i32
    %scan3A_21 = scf.for %scan3A_89 = %scan3A_17 to %scan3A_19 step %scan3A_20 iter_args(%scan3A_90 = %scan3A_16) -> (i32)  : i32 {
      %mul3A_91 = arith.constant 128 : i32
      %mul3A_92 = arith.muli %scan3A_89, %mul3A_91 : i32
      %add3A_93 = arith.constant 0 : i32
      %add3A_94 = arith.addi %mul3A_92, %add3A_93 : i32
      %get3A = arith.index_cast %add3A_94 : i32 to index
      %get3A_95 = tpu.vector_load %arg5[%get3A] {strides = array<i32>} : memref<32768xf32, #tpu.memory_space<vmem>>, vector<16xf32>,
      %get3A_96 = vector.shape_cast %get3A_95 : vector<16xf32> to vector<16xf32>
      %get3A_97 = arith.index_cast %add3A_94 : i32 to index
      %get3A_98 = tpu.vector_load %arg6[%get3A_97] {strides = array<i32>} : memref<32768xf32, #tpu.memory_space<vmem>>, vector<16xf32>,
      %get3A_99 = vector.shape_cast %get3A_98 : vector<16xf32> to vector<16xf32>
      %add3A_100 = arith.addf %get3A_96, %get3A_99 : vector<16xf32>
      %swap3A = arith.index_cast %add3A_94 : i32 to index
      %swap3A_101 = tpu.vector_load %arg5[%swap3A] {strides = array<i32>} : memref<32768xf32, #tpu.memory_space<vmem>>, vector<16xf32>,
      %swap3A_102 = vector.shape_cast %swap3A_101 : vector<16xf32> to vector<16xf32>
      %swap3A_103 = vector.shape_cast %add3A_100 : vector<16xf32> to vector<16xf32>
      tpu.vector_store %arg5[%swap3A], %swap3A_103 {strides = array<i32>} : memref<32768xf32, #tpu.memory_space<vmem>>, vector<16xf32>,
      %add3A_104 = arith.constant 16 : i32
      %add3A_105 = arith.addi %mul3A_92, %add3A_104 : i32
      %get3A_106 = arith.index_cast %add3A_105 : i32 to index
      %get3A_107 = tpu.vector_load %arg5[%get3A_106] {strides = array<i32>} : memref<32768xf32, #tpu.memory_space<vmem>>, vector<16xf32>,
      %get3A_108 = vector.shape_cast %get3A_107 : vector<16xf32> to vector<16xf32>
      %get3A_109 = arith.index_cast %add3A_105 : i32 to index
      %get3A_110 = tpu.vector_load %arg6[%get3A_109] {strides = array<i32>} : memref<32768xf32, #tpu.memory_space<vmem>>, vector<16xf32>,
      %get3A_111 = vector.shape_cast %get3A_110 : vector<16xf32> to vector<16xf32>
      %add3A_112 = arith.addf %get3A_108, %get3A_111 : vector<16xf32>
      %swap3A_113 = arith.index_cast %add3A_105 : i32 to index
      %swap3A_114 = tpu.vector_load %arg5[%swap3A_113] {strides = array<i32>} : memref<32768xf32, #tpu.memory_space<vmem>>, vector<16xf32>,
      %swap3A_115 = vector.shape_cast %swap3A_114 : vector<16xf32> to vector<16xf32>
      %swap3A_116 = vector.shape_cast %add3A_112 : vector<16xf32> to vector<16xf32>
      tpu.vector_store %arg5[%swap3A_113], %swap3A_116 {strides = array<i32>} : memref<32768xf32, #tpu.memory_space<vmem>>, vector<16xf32>,
      %add3A_117 = arith.constant 32 : i32
      %add3A_118 = arith.addi %mul3A_92, %add3A_117 : i32
      %get3A_119 = arith.index_cast %add3A_118 : i32 to index
      %get3A_120 = tpu.vector_load %arg5[%get3A_119] {strides = array<i32>} : memref<32768xf32, #tpu.memory_space<vmem>>, vector<16xf32>,
      %get3A_121 = vector.shape_cast %get3A_120 : vector<16xf32> to vector<16xf32>
      %get3A_122 = arith.index_cast %add3A_118 : i32 to index
      %get3A_123 = tpu.vector_load %arg6[%get3A_122] {strides = array<i32>} : memref<32768xf32, #tpu.memory_space<vmem>>, vector<16xf32>,
      %get3A_124 = vector.shape_cast %get3A_123 : vector<16xf32> to vector<16xf32>
      %add3A_125 = arith.addf %get3A_121, %get3A_124 : vector<16xf32>
      %swap3A_126 = arith.index_cast %add3A_118 : i32 to index
      %swap3A_127 = tpu.vector_load %arg5[%swap3A_126] {strides = array<i32>} : memref<32768xf32, #tpu.memory_space<vmem>>, vector<16xf32>,
      %swap3A_128 = vector.shape_cast %swap3A_127 : vector<16xf32> to vector<16xf32>
      %swap3A_129 = vector.shape_cast %add3A_125 : vector<16xf32> to vector<16xf32>
      tpu.vector_store %arg5[%swap3A_126], %swap3A_129 {strides = array<i32>} : memref<32768xf32, #tpu.memory_space<vmem>>, vector<16xf32>,
      %add3A_130 = arith.constant 48 : i32
      %add3A_131 = arith.addi %mul3A_92, %add3A_130 : i32
      %get3A_132 = arith.index_cast %add3A_131 : i32 to index
      %get3A_133 = tpu.vector_load %arg5[%get3A_132] {strides = array<i32>} : memref<32768xf32, #tpu.memory_space<vmem>>, vector<16xf32>,
      %get3A_134 = vector.shape_cast %get3A_133 : vector<16xf32> to vector<16xf32>
      %get3A_135 = arith.index_cast %add3A_131 : i32 to index
      %get3A_136 = tpu.vector_load %arg6[%get3A_135] {strides = array<i32>} : memref<32768xf32, #tpu.memory_space<vmem>>, vector<16xf32>,
      %get3A_137 = vector.shape_cast %get3A_136 : vector<16xf32> to vector<16xf32>
      %add3A_138 = arith.addf %get3A_134, %get3A_137 : vector<16xf32>
      %swap3A_139 = arith.index_cast %add3A_131 : i32 to index
      %swap3A_140 = tpu.vector_load %arg5[%swap3A_139] {strides = array<i32>} : memref<32768xf32, #tpu.memory_space<vmem>>, vector<16xf32>,
      %swap3A_141 = vector.shape_cast %swap3A_140 : vector<16xf32> to vector<16xf32>
      %swap3A_142 = vector.shape_cast %add3A_138 : vector<16xf32> to vector<16xf32>
      tpu.vector_store %arg5[%swap3A_139], %swap3A_142 {strides = array<i32>} : memref<32768xf32, #tpu.memory_space<vmem>>, vector<16xf32>,
      %add3A_143 = arith.constant 64 : i32
      %add3A_144 = arith.addi %mul3A_92, %add3A_143 : i32
      %get3A_145 = arith.index_cast %add3A_144 : i32 to index
      %get3A_146 = tpu.vector_load %arg5[%get3A_145] {strides = array<i32>} : memref<32768xf32, #tpu.memory_space<vmem>>, vector<16xf32>,
      %get3A_147 = vector.shape_cast %get3A_146 : vector<16xf32> to vector<16xf32>
      %get3A_148 = arith.index_cast %add3A_144 : i32 to index
      %get3A_149 = tpu.vector_load %arg6[%get3A_148] {strides = array<i32>} : memref<32768xf32, #tpu.memory_space<vmem>>, vector<16xf32>,
      %get3A_150 = vector.shape_cast %get3A_149 : vector<16xf32> to vector<16xf32>
      %add3A_151 = arith.addf %get3A_147, %get3A_150 : vector<16xf32>
      %swap3A_152 = arith.index_cast %add3A_144 : i32 to index
      %swap3A_153 = tpu.vector_load %arg5[%swap3A_152] {strides = array<i32>} : memref<32768xf32, #tpu.memory_space<vmem>>, vector<16xf32>,
      %swap3A_154 = vector.shape_cast %swap3A_153 : vector<16xf32> to vector<16xf32>
      %swap3A_155 = vector.shape_cast %add3A_151 : vector<16xf32> to vector<16xf32>
      tpu.vector_store %arg5[%swap3A_152], %swap3A_155 {strides = array<i32>} : memref<32768xf32, #tpu.memory_space<vmem>>, vector<16xf32>,
      %add3A_156 = arith.constant 80 : i32
      %add3A_157 = arith.addi %mul3A_92, %add3A_156 : i32
      %get3A_158 = arith.index_cast %add3A_157 : i32 to index
      %get3A_159 = tpu.vector_load %arg5[%get3A_158] {strides = array<i32>} : memref<32768xf32, #tpu.memory_space<vmem>>, vector<16xf32>,
      %get3A_160 = vector.shape_cast %get3A_159 : vector<16xf32> to vector<16xf32>
      %get3A_161 = arith.index_cast %add3A_157 : i32 to index
      %get3A_162 = tpu.vector_load %arg6[%get3A_161] {strides = array<i32>} : memref<32768xf32, #tpu.memory_space<vmem>>, vector<16xf32>,
      %get3A_163 = vector.shape_cast %get3A_162 : vector<16xf32> to vector<16xf32>
      %add3A_164 = arith.addf %get3A_160, %get3A_163 : vector<16xf32>
      %swap3A_165 = arith.index_cast %add3A_157 : i32 to index
      %swap3A_166 = tpu.vector_load %arg5[%swap3A_165] {strides = array<i32>} : memref<32768xf32, #tpu.memory_space<vmem>>, vector<16xf32>,
      %swap3A_167 = vector.shape_cast %swap3A_166 : vector<16xf32> to vector<16xf32>
      %swap3A_168 = vector.shape_cast %add3A_164 : vector<16xf32> to vector<16xf32>
      tpu.vector_store %arg5[%swap3A_165], %swap3A_168 {strides = array<i32>} : memref<32768xf32, #tpu.memory_space<vmem>>, vector<16xf32>,
      %add3A_169 = arith.constant 96 : i32
      %add3A_170 = arith.addi %mul3A_92, %add3A_169 : i32
      %get3A_171 = arith.index_cast %add3A_170 : i32 to index
      %get3A_172 = tpu.vector_load %arg5[%get3A_171] {strides = array<i32>} : memref<32768xf32, #tpu.memory_space<vmem>>, vector<16xf32>,
      %get3A_173 = vector.shape_cast %get3A_172 : vector<16xf32> to vector<16xf32>
      %get3A_174 = arith.index_cast %add3A_170 : i32 to index
      %get3A_175 = tpu.vector_load %arg6[%get3A_174] {strides = array<i32>} : memref<32768xf32, #tpu.memory_space<vmem>>, vector<16xf32>,
      %get3A_176 = vector.shape_cast %get3A_175 : vector<16xf32> to vector<16xf32>
      %add3A_177 = arith.addf %get3A_173, %get3A_176 : vector<16xf32>
      %swap3A_178 = arith.index_cast %add3A_170 : i32 to index
      %swap3A_179 = tpu.vector_load %arg5[%swap3A_178] {strides = array<i32>} : memref<32768xf32, #tpu.memory_space<vmem>>, vector<16xf32>,
      %swap3A_180 = vector.shape_cast %swap3A_179 : vector<16xf32> to vector<16xf32>
      %swap3A_181 = vector.shape_cast %add3A_177 : vector<16xf32> to vector<16xf32>
      tpu.vector_store %arg5[%swap3A_178], %swap3A_181 {strides = array<i32>} : memref<32768xf32, #tpu.memory_space<vmem>>, vector<16xf32>,
      %add3A_182 = arith.constant 112 : i32
      %add3A_183 = arith.addi %mul3A_92, %add3A_182 : i32
      %get3A_184 = arith.index_cast %add3A_183 : i32 to index
      %get3A_185 = tpu.vector_load %arg5[%get3A_184] {strides = array<i32>} : memref<32768xf32, #tpu.memory_space<vmem>>, vector<16xf32>,
      %get3A_186 = vector.shape_cast %get3A_185 : vector<16xf32> to vector<16xf32>
      %get3A_187 = arith.index_cast %add3A_183 : i32 to index
      %get3A_188 = tpu.vector_load %arg6[%get3A_187] {strides = array<i32>} : memref<32768xf32, #tpu.memory_space<vmem>>, vector<16xf32>,
      %get3A_189 = vector.shape_cast %get3A_188 : vector<16xf32> to vector<16xf32>
      %add3A_190 = arith.addf %get3A_186, %get3A_189 : vector<16xf32>
      %swap3A_191 = arith.index_cast %add3A_183 : i32 to index
      %swap3A_192 = tpu.vector_load %arg5[%swap3A_191] {strides = array<i32>} : memref<32768xf32, #tpu.memory_space<vmem>>, vector<16xf32>,
      %swap3A_193 = vector.shape_cast %swap3A_192 : vector<16xf32> to vector<16xf32>
      %swap3A_194 = vector.shape_cast %add3A_190 : vector<16xf32> to vector<16xf32>
      tpu.vector_store %arg5[%swap3A_191], %swap3A_194 {strides = array<i32>} : memref<32768xf32, #tpu.memory_space<vmem>>, vector<16xf32>,
      %scan3A_195 = arith.constant 0 : i32
      scf.yield %scan3A_195 : i32
    }
    %scan3A_22 = arith.constant 256 : i32
    "tpu.region"() ({
      %run_scoped3A = tpu.sem_alloc : memref<!tpu.dma_semaphore, #tpu.memory_space<semaphore_mem>>
      %dma_start3A = tpu.memref_slice %arg4[%add3A_13] : memref<8388608xf32, #tpu.memory_space<hbm>> -> memref<32768xf32, #tpu.memory_space<hbm>>
      %dma_start3A_89 = tpu.memref_slice %arg4[%add3A_13] : memref<8388608xf32, #tpu.memory_space<hbm>> -> memref<32768xf32, #tpu.memory_space<hbm>>
      tpu.enqueue_dma source(%arg5 : memref<32768xf32, #tpu.memory_space<vmem>>) target(%dma_start3A_89 : memref<32768xf32, #tpu.memory_space<hbm>>) target_semaphore(%run_scoped3A : memref<!tpu.dma_semaphore, #tpu.memory_space<semaphore_mem>>)
      %dma_wait3A = tpu.memref_slice %arg4[%add3A_13] : memref<8388608xf32, #tpu.memory_space<hbm>> -> memref<32768xf32, #tpu.memory_space<hbm>>
      %dma_wait3A_90 = tpu.memref_slice %arg4[%add3A_13] : memref<8388608xf32, #tpu.memory_space<hbm>> -> memref<32768xf32, #tpu.memory_space<hbm>>
      tpu.wait_dma2 semaphore(%run_scoped3A : memref<!tpu.dma_semaphore, #tpu.memory_space<semaphore_mem>>) src(%arg5 : memref<32768xf32, #tpu.memory_space<vmem>>) dst(%dma_wait3A_90 : memref<32768xf32, #tpu.memory_space<hbm>>)
      tpu.yield
    }) : () -> ()
    %add3A_23 = arith.constant 65536 : i32
    %add3A_24 = arith.addi %mul3A_2, %add3A_23 : i32
    %rem3A_25 = arith.constant 2097152 : i32
    %rem3A_26 = arith.remsi %add3A_24, %rem3A_25 : i32
    "tpu.region"() ({
      %run_scoped3A = tpu.sem_alloc : memref<!tpu.dma_semaphore, #tpu.memory_space<semaphore_mem>>
      %dma_start3A = tpu.memref_slice %arg2[%add3A_24] : memref<8388608xf32, #tpu.memory_space<hbm>> -> memref<32768xf32, #tpu.memory_space<hbm>>
      %dma_start3A_89 = tpu.memref_slice %arg2[%add3A_24] : memref<8388608xf32, #tpu.memory_space<hbm>> -> memref<32768xf32, #tpu.memory_space<hbm>>
      tpu.enqueue_dma source(%dma_start3A_89 : memref<32768xf32, #tpu.memory_space<hbm>>) target(%arg5 : memref<32768xf32, #tpu.memory_space<vmem>>) target_semaphore(%run_scoped3A : memref<!tpu.dma_semaphore, #tpu.memory_space<semaphore_mem>>)
      %dma_wait3A = tpu.memref_slice %arg2[%add3A_24] : memref<8388608xf32, #tpu.memory_space<hbm>> -> memref<32768xf32, #tpu.memory_space<hbm>>
      %dma_wait3A_90 = tpu.memref_slice %arg2[%add3A_24] : memref<8388608xf32, #tpu.memory_space<hbm>> -> memref<32768xf32, #tpu.memory_space<hbm>>
      tpu.wait_dma2 semaphore(%run_scoped3A : memref<!tpu.dma_semaphore, #tpu.memory_space<semaphore_mem>>) src(%dma_wait3A_90 : memref<32768xf32, #tpu.memory_space<hbm>>) dst(%arg5 : memref<32768xf32, #tpu.memory_space<vmem>>)
      tpu.yield
    }) : () -> ()
    "tpu.region"() ({
      %run_scoped3A = tpu.sem_alloc : memref<!tpu.dma_semaphore, #tpu.memory_space<semaphore_mem>>
      %dma_start3A = tpu.memref_slice %arg3[%rem3A_26] : memref<2097152xf32, #tpu.memory_space<hbm>> -> memref<32768xf32, #tpu.memory_space<hbm>>
      %dma_start3A_89 = tpu.memref_slice %arg3[%rem3A_26] : memref<2097152xf32, #tpu.memory_space<hbm>> -> memref<32768xf32, #tpu.memory_space<hbm>>
      tpu.enqueue_dma source(%dma_start3A_89 : memref<32768xf32, #tpu.memory_space<hbm>>) target(%arg6 : memref<32768xf32, #tpu.memory_space<vmem>>) target_semaphore(%run_scoped3A : memref<!tpu.dma_semaphore, #tpu.memory_space<semaphore_mem>>)
      %dma_wait3A = tpu.memref_slice %arg3[%rem3A_26] : memref<2097152xf32, #tpu.memory_space<hbm>> -> memref<32768xf32, #tpu.memory_space<hbm>>
      %dma_wait3A_90 = tpu.memref_slice %arg3[%rem3A_26] : memref<2097152xf32, #tpu.memory_space<hbm>> -> memref<32768xf32, #tpu.memory_space<hbm>>
      tpu.wait_dma2 semaphore(%run_scoped3A : memref<!tpu.dma_semaphore, #tpu.memory_space<semaphore_mem>>) src(%dma_wait3A_90 : memref<32768xf32, #tpu.memory_space<hbm>>) dst(%arg6 : memref<32768xf32, #tpu.memory_space<vmem>>)
      tpu.yield
    }) : () -> ()
    %scan3A_27 = arith.constant 0 : i32
    %scan3A_28 = arith.constant 0 : i32
    %scan3A_29 = arith.constant 256 : i32
    %scan3A_30 = arith.addi %scan3A_28, %scan3A_29 : i32
    %scan3A_31 = arith.constant 1 : i32
    %scan3A_32 = scf.for %scan3A_89 = %scan3A_28 to %scan3A_30 step %scan3A_31 iter_args(%scan3A_90 = %scan3A_27) -> (i32)  : i32 {
      %mul3A_91 = arith.constant 128 : i32
      %mul3A_92 = arith.muli %scan3A_89, %mul3A_91 : i32
      %add3A_93 = arith.constant 0 : i32
      %add3A_94 = arith.addi %mul3A_92, %add3A_93 : i32
      %get3A = arith.index_cast %add3A_94 : i32 to index
      %get3A_95 = tpu.vector_load %arg5[%get3A] {strides = array<i32>} : memref<32768xf32, #tpu.memory_space<vmem>>, vector<16xf32>,
      %get3A_96 = vector.shape_cast %get3A_95 : vector<16xf32> to vector<16xf32>
      %get3A_97 = arith.index_cast %add3A_94 : i32 to index
      %get3A_98 = tpu.vector_load %arg6[%get3A_97] {strides = array<i32>} : memref<32768xf32, #tpu.memory_space<vmem>>, vector<16xf32>,
      %get3A_99 = vector.shape_cast %get3A_98 : vector<16xf32> to vector<16xf32>
      %add3A_100 = arith.addf %get3A_96, %get3A_99 : vector<16xf32>
      %swap3A = arith.index_cast %add3A_94 : i32 to index
      %swap3A_101 = tpu.vector_load %arg5[%swap3A] {strides = array<i32>} : memref<32768xf32, #tpu.memory_space<vmem>>, vector<16xf32>,
      %swap3A_102 = vector.shape_cast %swap3A_101 : vector<16xf32> to vector<16xf32>
      %swap3A_103 = vector.shape_cast %add3A_100 : vector<16xf32> to vector<16xf32>
      tpu.vector_store %arg5[%swap3A], %swap3A_103 {strides = array<i32>} : memref<32768xf32, #tpu.memory_space<vmem>>, vector<16xf32>,
      %add3A_104 = arith.constant 16 : i32
      %add3A_105 = arith.addi %mul3A_92, %add3A_104 : i32
      %get3A_106 = arith.index_cast %add3A_105 : i32 to index
      %get3A_107 = tpu.vector_load %arg5[%get3A_106] {strides = array<i32>} : memref<32768xf32, #tpu.memory_space<vmem>>, vector<16xf32>,
      %get3A_108 = vector.shape_cast %get3A_107 : vector<16xf32> to vector<16xf32>
      %get3A_109 = arith.index_cast %add3A_105 : i32 to index
      %get3A_110 = tpu.vector_load %arg6[%get3A_109] {strides = array<i32>} : memref<32768xf32, #tpu.memory_space<vmem>>, vector<16xf32>,
      %get3A_111 = vector.shape_cast %get3A_110 : vector<16xf32> to vector<16xf32>
      %add3A_112 = arith.addf %get3A_108, %get3A_111 : vector<16xf32>
      %swap3A_113 = arith.index_cast %add3A_105 : i32 to index
      %swap3A_114 = tpu.vector_load %arg5[%swap3A_113] {strides = array<i32>} : memref<32768xf32, #tpu.memory_space<vmem>>, vector<16xf32>,
      %swap3A_115 = vector.shape_cast %swap3A_114 : vector<16xf32> to vector<16xf32>
      %swap3A_116 = vector.shape_cast %add3A_112 : vector<16xf32> to vector<16xf32>
      tpu.vector_store %arg5[%swap3A_113], %swap3A_116 {strides = array<i32>} : memref<32768xf32, #tpu.memory_space<vmem>>, vector<16xf32>,
      %add3A_117 = arith.constant 32 : i32
      %add3A_118 = arith.addi %mul3A_92, %add3A_117 : i32
      %get3A_119 = arith.index_cast %add3A_118 : i32 to index
      %get3A_120 = tpu.vector_load %arg5[%get3A_119] {strides = array<i32>} : memref<32768xf32, #tpu.memory_space<vmem>>, vector<16xf32>,
      %get3A_121 = vector.shape_cast %get3A_120 : vector<16xf32> to vector<16xf32>
      %get3A_122 = arith.index_cast %add3A_118 : i32 to index
      %get3A_123 = tpu.vector_load %arg6[%get3A_122] {strides = array<i32>} : memref<32768xf32, #tpu.memory_space<vmem>>, vector<16xf32>,
      %get3A_124 = vector.shape_cast %get3A_123 : vector<16xf32> to vector<16xf32>
      %add3A_125 = arith.addf %get3A_121, %get3A_124 : vector<16xf32>
      %swap3A_126 = arith.index_cast %add3A_118 : i32 to index
      %swap3A_127 = tpu.vector_load %arg5[%swap3A_126] {strides = array<i32>} : memref<32768xf32, #tpu.memory_space<vmem>>, vector<16xf32>,
      %swap3A_128 = vector.shape_cast %swap3A_127 : vector<16xf32> to vector<16xf32>
      %swap3A_129 = vector.shape_cast %add3A_125 : vector<16xf32> to vector<16xf32>
      tpu.vector_store %arg5[%swap3A_126], %swap3A_129 {strides = array<i32>} : memref<32768xf32, #tpu.memory_space<vmem>>, vector<16xf32>,
      %add3A_130 = arith.constant 48 : i32
      %add3A_131 = arith.addi %mul3A_92, %add3A_130 : i32
      %get3A_132 = arith.index_cast %add3A_131 : i32 to index
      %get3A_133 = tpu.vector_load %arg5[%get3A_132] {strides = array<i32>} : memref<32768xf32, #tpu.memory_space<vmem>>, vector<16xf32>,
      %get3A_134 = vector.shape_cast %get3A_133 : vector<16xf32> to vector<16xf32>
      %get3A_135 = arith.index_cast %add3A_131 : i32 to index
      %get3A_136 = tpu.vector_load %arg6[%get3A_135] {strides = array<i32>} : memref<32768xf32, #tpu.memory_space<vmem>>, vector<16xf32>,
      %get3A_137 = vector.shape_cast %get3A_136 : vector<16xf32> to vector<16xf32>
      %add3A_138 = arith.addf %get3A_134, %get3A_137 : vector<16xf32>
      %swap3A_139 = arith.index_cast %add3A_131 : i32 to index
      %swap3A_140 = tpu.vector_load %arg5[%swap3A_139] {strides = array<i32>} : memref<32768xf32, #tpu.memory_space<vmem>>, vector<16xf32>,
      %swap3A_141 = vector.shape_cast %swap3A_140 : vector<16xf32> to vector<16xf32>
      %swap3A_142 = vector.shape_cast %add3A_138 : vector<16xf32> to vector<16xf32>
      tpu.vector_store %arg5[%swap3A_139], %swap3A_142 {strides = array<i32>} : memref<32768xf32, #tpu.memory_space<vmem>>, vector<16xf32>,
      %add3A_143 = arith.constant 64 : i32
      %add3A_144 = arith.addi %mul3A_92, %add3A_143 : i32
      %get3A_145 = arith.index_cast %add3A_144 : i32 to index
      %get3A_146 = tpu.vector_load %arg5[%get3A_145] {strides = array<i32>} : memref<32768xf32, #tpu.memory_space<vmem>>, vector<16xf32>,
      %get3A_147 = vector.shape_cast %get3A_146 : vector<16xf32> to vector<16xf32>
      %get3A_148 = arith.index_cast %add3A_144 : i32 to index
      %get3A_149 = tpu.vector_load %arg6[%get3A_148] {strides = array<i32>} : memref<32768xf32, #tpu.memory_space<vmem>>, vector<16xf32>,
      %get3A_150 = vector.shape_cast %get3A_149 : vector<16xf32> to vector<16xf32>
      %add3A_151 = arith.addf %get3A_147, %get3A_150 : vector<16xf32>
      %swap3A_152 = arith.index_cast %add3A_144 : i32 to index
      %swap3A_153 = tpu.vector_load %arg5[%swap3A_152] {strides = array<i32>} : memref<32768xf32, #tpu.memory_space<vmem>>, vector<16xf32>,
      %swap3A_154 = vector.shape_cast %swap3A_153 : vector<16xf32> to vector<16xf32>
      %swap3A_155 = vector.shape_cast %add3A_151 : vector<16xf32> to vector<16xf32>
      tpu.vector_store %arg5[%swap3A_152], %swap3A_155 {strides = array<i32>} : memref<32768xf32, #tpu.memory_space<vmem>>, vector<16xf32>,
      %add3A_156 = arith.constant 80 : i32
      %add3A_157 = arith.addi %mul3A_92, %add3A_156 : i32
      %get3A_158 = arith.index_cast %add3A_157 : i32 to index
      %get3A_159 = tpu.vector_load %arg5[%get3A_158] {strides = array<i32>} : memref<32768xf32, #tpu.memory_space<vmem>>, vector<16xf32>,
      %get3A_160 = vector.shape_cast %get3A_159 : vector<16xf32> to vector<16xf32>
      %get3A_161 = arith.index_cast %add3A_157 : i32 to index
      %get3A_162 = tpu.vector_load %arg6[%get3A_161] {strides = array<i32>} : memref<32768xf32, #tpu.memory_space<vmem>>, vector<16xf32>,
      %get3A_163 = vector.shape_cast %get3A_162 : vector<16xf32> to vector<16xf32>
      %add3A_164 = arith.addf %get3A_160, %get3A_163 : vector<16xf32>
      %swap3A_165 = arith.index_cast %add3A_157 : i32 to index
      %swap3A_166 = tpu.vector_load %arg5[%swap3A_165] {strides = array<i32>} : memref<32768xf32, #tpu.memory_space<vmem>>, vector<16xf32>,
      %swap3A_167 = vector.shape_cast %swap3A_166 : vector<16xf32> to vector<16xf32>
      %swap3A_168 = vector.shape_cast %add3A_164 : vector<16xf32> to vector<16xf32>
      tpu.vector_store %arg5[%swap3A_165], %swap3A_168 {strides = array<i32>} : memref<32768xf32, #tpu.memory_space<vmem>>, vector<16xf32>,
      %add3A_169 = arith.constant 96 : i32
      %add3A_170 = arith.addi %mul3A_92, %add3A_169 : i32
      %get3A_171 = arith.index_cast %add3A_170 : i32 to index
      %get3A_172 = tpu.vector_load %arg5[%get3A_171] {strides = array<i32>} : memref<32768xf32, #tpu.memory_space<vmem>>, vector<16xf32>,
      %get3A_173 = vector.shape_cast %get3A_172 : vector<16xf32> to vector<16xf32>
      %get3A_174 = arith.index_cast %add3A_170 : i32 to index
      %get3A_175 = tpu.vector_load %arg6[%get3A_174] {strides = array<i32>} : memref<32768xf32, #tpu.memory_space<vmem>>, vector<16xf32>,
      %get3A_176 = vector.shape_cast %get3A_175 : vector<16xf32> to vector<16xf32>
      %add3A_177 = arith.addf %get3A_173, %get3A_176 : vector<16xf32>
      %swap3A_178 = arith.index_cast %add3A_170 : i32 to index
      %swap3A_179 = tpu.vector_load %arg5[%swap3A_178] {strides = array<i32>} : memref<32768xf32, #tpu.memory_space<vmem>>, vector<16xf32>,
      %swap3A_180 = vector.shape_cast %swap3A_179 : vector<16xf32> to vector<16xf32>
      %swap3A_181 = vector.shape_cast %add3A_177 : vector<16xf32> to vector<16xf32>
      tpu.vector_store %arg5[%swap3A_178], %swap3A_181 {strides = array<i32>} : memref<32768xf32, #tpu.memory_space<vmem>>, vector<16xf32>,
      %add3A_182 = arith.constant 112 : i32
      %add3A_183 = arith.addi %mul3A_92, %add3A_182 : i32
      %get3A_184 = arith.index_cast %add3A_183 : i32 to index
      %get3A_185 = tpu.vector_load %arg5[%get3A_184] {strides = array<i32>} : memref<32768xf32, #tpu.memory_space<vmem>>, vector<16xf32>,
      %get3A_186 = vector.shape_cast %get3A_185 : vector<16xf32> to vector<16xf32>
      %get3A_187 = arith.index_cast %add3A_183 : i32 to index
      %get3A_188 = tpu.vector_load %arg6[%get3A_187] {strides = array<i32>} : memref<32768xf32, #tpu.memory_space<vmem>>, vector<16xf32>,
      %get3A_189 = vector.shape_cast %get3A_188 : vector<16xf32> to vector<16xf32>
      %add3A_190 = arith.addf %get3A_186, %get3A_189 : vector<16xf32>
      %swap3A_191 = arith.index_cast %add3A_183 : i32 to index
      %swap3A_192 = tpu.vector_load %arg5[%swap3A_191] {strides = array<i32>} : memref<32768xf32, #tpu.memory_space<vmem>>, vector<16xf32>,
      %swap3A_193 = vector.shape_cast %swap3A_192 : vector<16xf32> to vector<16xf32>
      %swap3A_194 = vector.shape_cast %add3A_190 : vector<16xf32> to vector<16xf32>
      tpu.vector_store %arg5[%swap3A_191], %swap3A_194 {strides = array<i32>} : memref<32768xf32, #tpu.memory_space<vmem>>, vector<16xf32>,
      %scan3A_195 = arith.constant 0 : i32
      scf.yield %scan3A_195 : i32
    }
    %scan3A_33 = arith.constant 256 : i32
    "tpu.region"() ({
      %run_scoped3A = tpu.sem_alloc : memref<!tpu.dma_semaphore, #tpu.memory_space<semaphore_mem>>
      %dma_start3A = tpu.memref_slice %arg4[%add3A_24] : memref<8388608xf32, #tpu.memory_space<hbm>> -> memref<32768xf32, #tpu.memory_space<hbm>>
      %dma_start3A_89 = tpu.memref_slice %arg4[%add3A_24] : memref<8388608xf32, #tpu.memory_space<hbm>> -> memref<32768xf32, #tpu.memory_space<hbm>>
      tpu.enqueue_dma source(%arg5 : memref<32768xf32, #tpu.memory_space<vmem>>) target(%dma_start3A_89 : memref<32768xf32, #tpu.memory_space<hbm>>) target_semaphore(%run_scoped3A : memref<!tpu.dma_semaphore, #tpu.memory_space<semaphore_mem>>)
      %dma_wait3A = tpu.memref_slice %arg4[%add3A_24] : memref<8388608xf32, #tpu.memory_space<hbm>> -> memref<32768xf32, #tpu.memory_space<hbm>>
      %dma_wait3A_90 = tpu.memref_slice %arg4[%add3A_24] : memref<8388608xf32, #tpu.memory_space<hbm>> -> memref<32768xf32, #tpu.memory_space<hbm>>
      tpu.wait_dma2 semaphore(%run_scoped3A : memref<!tpu.dma_semaphore, #tpu.memory_space<semaphore_mem>>) src(%arg5 : memref<32768xf32, #tpu.memory_space<vmem>>) dst(%dma_wait3A_90 : memref<32768xf32, #tpu.memory_space<hbm>>)
      tpu.yield
    }) : () -> ()
    %add3A_34 = arith.constant 98304 : i32
    %add3A_35 = arith.addi %mul3A_2, %add3A_34 : i32
    %rem3A_36 = arith.constant 2097152 : i32
    %rem3A_37 = arith.remsi %add3A_35, %rem3A_36 : i32
    "tpu.region"() ({
      %run_scoped3A = tpu.sem_alloc : memref<!tpu.dma_semaphore, #tpu.memory_space<semaphore_mem>>
      %dma_start3A = tpu.memref_slice %arg2[%add3A_35] : memref<8388608xf32, #tpu.memory_space<hbm>> -> memref<32768xf32, #tpu.memory_space<hbm>>
      %dma_start3A_89 = tpu.memref_slice %arg2[%add3A_35] : memref<8388608xf32, #tpu.memory_space<hbm>> -> memref<32768xf32, #tpu.memory_space<hbm>>
      tpu.enqueue_dma source(%dma_start3A_89 : memref<32768xf32, #tpu.memory_space<hbm>>) target(%arg5 : memref<32768xf32, #tpu.memory_space<vmem>>) target_semaphore(%run_scoped3A : memref<!tpu.dma_semaphore, #tpu.memory_space<semaphore_mem>>)
      %dma_wait3A = tpu.memref_slice %arg2[%add3A_35] : memref<8388608xf32, #tpu.memory_space<hbm>> -> memref<32768xf32, #tpu.memory_space<hbm>>
      %dma_wait3A_90 = tpu.memref_slice %arg2[%add3A_35] : memref<8388608xf32, #tpu.memory_space<hbm>> -> memref<32768xf32, #tpu.memory_space<hbm>>
      tpu.wait_dma2 semaphore(%run_scoped3A : memref<!tpu.dma_semaphore, #tpu.memory_space<semaphore_mem>>) src(%dma_wait3A_90 : memref<32768xf32, #tpu.memory_space<hbm>>) dst(%arg5 : memref<32768xf32, #tpu.memory_space<vmem>>)
      tpu.yield
    }) : () -> ()
    "tpu.region"() ({
      %run_scoped3A = tpu.sem_alloc : memref<!tpu.dma_semaphore, #tpu.memory_space<semaphore_mem>>
      %dma_start3A = tpu.memref_slice %arg3[%rem3A_37] : memref<2097152xf32, #tpu.memory_space<hbm>> -> memref<32768xf32, #tpu.memory_space<hbm>>
      %dma_start3A_89 = tpu.memref_slice %arg3[%rem3A_37] : memref<2097152xf32, #tpu.memory_space<hbm>> -> memref<32768xf32, #tpu.memory_space<hbm>>
      tpu.enqueue_dma source(%dma_start3A_89 : memref<32768xf32, #tpu.memory_space<hbm>>) target(%arg6 : memref<32768xf32, #tpu.memory_space<vmem>>) target_semaphore(%run_scoped3A : memref<!tpu.dma_semaphore, #tpu.memory_space<semaphore_mem>>)
      %dma_wait3A = tpu.memref_slice %arg3[%rem3A_37] : memref<2097152xf32, #tpu.memory_space<hbm>> -> memref<32768xf32, #tpu.memory_space<hbm>>
      %dma_wait3A_90 = tpu.memref_slice %arg3[%rem3A_37] : memref<2097152xf32, #tpu.memory_space<hbm>> -> memref<32768xf32, #tpu.memory_space<hbm>>
      tpu.wait_dma2 semaphore(%run_scoped3A : memref<!tpu.dma_semaphore, #tpu.memory_space<semaphore_mem>>) src(%dma_wait3A_90 : memref<32768xf32, #tpu.memory_space<hbm>>) dst(%arg6 : memref<32768xf32, #tpu.memory_space<vmem>>)
      tpu.yield
    }) : () -> ()
    %scan3A_38 = arith.constant 0 : i32
    %scan3A_39 = arith.constant 0 : i32
    %scan3A_40 = arith.constant 256 : i32
    %scan3A_41 = arith.addi %scan3A_39, %scan3A_40 : i32
    %scan3A_42 = arith.constant 1 : i32
    %scan3A_43 = scf.for %scan3A_89 = %scan3A_39 to %scan3A_41 step %scan3A_42 iter_args(%scan3A_90 = %scan3A_38) -> (i32)  : i32 {
      %mul3A_91 = arith.constant 128 : i32
      %mul3A_92 = arith.muli %scan3A_89, %mul3A_91 : i32
      %add3A_93 = arith.constant 0 : i32
      %add3A_94 = arith.addi %mul3A_92, %add3A_93 : i32
      %get3A = arith.index_cast %add3A_94 : i32 to index
      %get3A_95 = tpu.vector_load %arg5[%get3A] {strides = array<i32>} : memref<32768xf32, #tpu.memory_space<vmem>>, vector<16xf32>,
      %get3A_96 = vector.shape_cast %get3A_95 : vector<16xf32> to vector<16xf32>
      %get3A_97 = arith.index_cast %add3A_94 : i32 to index
      %get3A_98 = tpu.vector_load %arg6[%get3A_97] {strides = array<i32>} : memref<32768xf32, #tpu.memory_space<vmem>>, vector<16xf32>,
      %get3A_99 = vector.shape_cast %get3A_98 : vector<16xf32> to vector<16xf32>
      %add3A_100 = arith.addf %get3A_96, %get3A_99 : vector<16xf32>
      %swap3A = arith.index_cast %add3A_94 : i32 to index
      %swap3A_101 = tpu.vector_load %arg5[%swap3A] {strides = array<i32>} : memref<32768xf32, #tpu.memory_space<vmem>>, vector<16xf32>,
      %swap3A_102 = vector.shape_cast %swap3A_101 : vector<16xf32> to vector<16xf32>
      %swap3A_103 = vector.shape_cast %add3A_100 : vector<16xf32> to vector<16xf32>
      tpu.vector_store %arg5[%swap3A], %swap3A_103 {strides = array<i32>} : memref<32768xf32, #tpu.memory_space<vmem>>, vector<16xf32>,
      %add3A_104 = arith.constant 16 : i32
      %add3A_105 = arith.addi %mul3A_92, %add3A_104 : i32
      %get3A_106 = arith.index_cast %add3A_105 : i32 to index
      %get3A_107 = tpu.vector_load %arg5[%get3A_106] {strides = array<i32>} : memref<32768xf32, #tpu.memory_space<vmem>>, vector<16xf32>,
      %get3A_108 = vector.shape_cast %get3A_107 : vector<16xf32> to vector<16xf32>
      %get3A_109 = arith.index_cast %add3A_105 : i32 to index
      %get3A_110 = tpu.vector_load %arg6[%get3A_109] {strides = array<i32>} : memref<32768xf32, #tpu.memory_space<vmem>>, vector<16xf32>,
      %get3A_111 = vector.shape_cast %get3A_110 : vector<16xf32> to vector<16xf32>
      %add3A_112 = arith.addf %get3A_108, %get3A_111 : vector<16xf32>
      %swap3A_113 = arith.index_cast %add3A_105 : i32 to index
      %swap3A_114 = tpu.vector_load %arg5[%swap3A_113] {strides = array<i32>} : memref<32768xf32, #tpu.memory_space<vmem>>, vector<16xf32>,
      %swap3A_115 = vector.shape_cast %swap3A_114 : vector<16xf32> to vector<16xf32>
      %swap3A_116 = vector.shape_cast %add3A_112 : vector<16xf32> to vector<16xf32>
      tpu.vector_store %arg5[%swap3A_113], %swap3A_116 {strides = array<i32>} : memref<32768xf32, #tpu.memory_space<vmem>>, vector<16xf32>,
      %add3A_117 = arith.constant 32 : i32
      %add3A_118 = arith.addi %mul3A_92, %add3A_117 : i32
      %get3A_119 = arith.index_cast %add3A_118 : i32 to index
      %get3A_120 = tpu.vector_load %arg5[%get3A_119] {strides = array<i32>} : memref<32768xf32, #tpu.memory_space<vmem>>, vector<16xf32>,
      %get3A_121 = vector.shape_cast %get3A_120 : vector<16xf32> to vector<16xf32>
      %get3A_122 = arith.index_cast %add3A_118 : i32 to index
      %get3A_123 = tpu.vector_load %arg6[%get3A_122] {strides = array<i32>} : memref<32768xf32, #tpu.memory_space<vmem>>, vector<16xf32>,
      %get3A_124 = vector.shape_cast %get3A_123 : vector<16xf32> to vector<16xf32>
      %add3A_125 = arith.addf %get3A_121, %get3A_124 : vector<16xf32>
      %swap3A_126 = arith.index_cast %add3A_118 : i32 to index
      %swap3A_127 = tpu.vector_load %arg5[%swap3A_126] {strides = array<i32>} : memref<32768xf32, #tpu.memory_space<vmem>>, vector<16xf32>,
      %swap3A_128 = vector.shape_cast %swap3A_127 : vector<16xf32> to vector<16xf32>
      %swap3A_129 = vector.shape_cast %add3A_125 : vector<16xf32> to vector<16xf32>
      tpu.vector_store %arg5[%swap3A_126], %swap3A_129 {strides = array<i32>} : memref<32768xf32, #tpu.memory_space<vmem>>, vector<16xf32>,
      %add3A_130 = arith.constant 48 : i32
      %add3A_131 = arith.addi %mul3A_92, %add3A_130 : i32
      %get3A_132 = arith.index_cast %add3A_131 : i32 to index
      %get3A_133 = tpu.vector_load %arg5[%get3A_132] {strides = array<i32>} : memref<32768xf32, #tpu.memory_space<vmem>>, vector<16xf32>,
      %get3A_134 = vector.shape_cast %get3A_133 : vector<16xf32> to vector<16xf32>
      %get3A_135 = arith.index_cast %add3A_131 : i32 to index
      %get3A_136 = tpu.vector_load %arg6[%get3A_135] {strides = array<i32>} : memref<32768xf32, #tpu.memory_space<vmem>>, vector<16xf32>,
      %get3A_137 = vector.shape_cast %get3A_136 : vector<16xf32> to vector<16xf32>
      %add3A_138 = arith.addf %get3A_134, %get3A_137 : vector<16xf32>
      %swap3A_139 = arith.index_cast %add3A_131 : i32 to index
      %swap3A_140 = tpu.vector_load %arg5[%swap3A_139] {strides = array<i32>} : memref<32768xf32, #tpu.memory_space<vmem>>, vector<16xf32>,
      %swap3A_141 = vector.shape_cast %swap3A_140 : vector<16xf32> to vector<16xf32>
      %swap3A_142 = vector.shape_cast %add3A_138 : vector<16xf32> to vector<16xf32>
      tpu.vector_store %arg5[%swap3A_139], %swap3A_142 {strides = array<i32>} : memref<32768xf32, #tpu.memory_space<vmem>>, vector<16xf32>,
      %add3A_143 = arith.constant 64 : i32
      %add3A_144 = arith.addi %mul3A_92, %add3A_143 : i32
      %get3A_145 = arith.index_cast %add3A_144 : i32 to index
      %get3A_146 = tpu.vector_load %arg5[%get3A_145] {strides = array<i32>} : memref<32768xf32, #tpu.memory_space<vmem>>, vector<16xf32>,
      %get3A_147 = vector.shape_cast %get3A_146 : vector<16xf32> to vector<16xf32>
      %get3A_148 = arith.index_cast %add3A_144 : i32 to index
      %get3A_149 = tpu.vector_load %arg6[%get3A_148] {strides = array<i32>} : memref<32768xf32, #tpu.memory_space<vmem>>, vector<16xf32>,
      %get3A_150 = vector.shape_cast %get3A_149 : vector<16xf32> to vector<16xf32>
      %add3A_151 = arith.addf %get3A_147, %get3A_150 : vector<16xf32>
      %swap3A_152 = arith.index_cast %add3A_144 : i32 to index
      %swap3A_153 = tpu.vector_load %arg5[%swap3A_152] {strides = array<i32>} : memref<32768xf32, #tpu.memory_space<vmem>>, vector<16xf32>,
      %swap3A_154 = vector.shape_cast %swap3A_153 : vector<16xf32> to vector<16xf32>
      %swap3A_155 = vector.shape_cast %add3A_151 : vector<16xf32> to vector<16xf32>
      tpu.vector_store %arg5[%swap3A_152], %swap3A_155 {strides = array<i32>} : memref<32768xf32, #tpu.memory_space<vmem>>, vector<16xf32>,
      %add3A_156 = arith.constant 80 : i32
      %add3A_157 = arith.addi %mul3A_92, %add3A_156 : i32
      %get3A_158 = arith.index_cast %add3A_157 : i32 to index
      %get3A_159 = tpu.vector_load %arg5[%get3A_158] {strides = array<i32>} : memref<32768xf32, #tpu.memory_space<vmem>>, vector<16xf32>,
      %get3A_160 = vector.shape_cast %get3A_159 : vector<16xf32> to vector<16xf32>
      %get3A_161 = arith.index_cast %add3A_157 : i32 to index
      %get3A_162 = tpu.vector_load %arg6[%get3A_161] {strides = array<i32>} : memref<32768xf32, #tpu.memory_space<vmem>>, vector<16xf32>,
      %get3A_163 = vector.shape_cast %get3A_162 : vector<16xf32> to vector<16xf32>
      %add3A_164 = arith.addf %get3A_160, %get3A_163 : vector<16xf32>
      %swap3A_165 = arith.index_cast %add3A_157 : i32 to index
      %swap3A_166 = tpu.vector_load %arg5[%swap3A_165] {strides = array<i32>} : memref<32768xf32, #tpu.memory_space<vmem>>, vector<16xf32>,
      %swap3A_167 = vector.shape_cast %swap3A_166 : vector<16xf32> to vector<16xf32>
      %swap3A_168 = vector.shape_cast %add3A_164 : vector<16xf32> to vector<16xf32>
      tpu.vector_store %arg5[%swap3A_165], %swap3A_168 {strides = array<i32>} : memref<32768xf32, #tpu.memory_space<vmem>>, vector<16xf32>,
      %add3A_169 = arith.constant 96 : i32
      %add3A_170 = arith.addi %mul3A_92, %add3A_169 : i32
      %get3A_171 = arith.index_cast %add3A_170 : i32 to index
      %get3A_172 = tpu.vector_load %arg5[%get3A_171] {strides = array<i32>} : memref<32768xf32, #tpu.memory_space<vmem>>, vector<16xf32>,
      %get3A_173 = vector.shape_cast %get3A_172 : vector<16xf32> to vector<16xf32>
      %get3A_174 = arith.index_cast %add3A_170 : i32 to index
      %get3A_175 = tpu.vector_load %arg6[%get3A_174] {strides = array<i32>} : memref<32768xf32, #tpu.memory_space<vmem>>, vector<16xf32>,
      %get3A_176 = vector.shape_cast %get3A_175 : vector<16xf32> to vector<16xf32>
      %add3A_177 = arith.addf %get3A_173, %get3A_176 : vector<16xf32>
      %swap3A_178 = arith.index_cast %add3A_170 : i32 to index
      %swap3A_179 = tpu.vector_load %arg5[%swap3A_178] {strides = array<i32>} : memref<32768xf32, #tpu.memory_space<vmem>>, vector<16xf32>,
      %swap3A_180 = vector.shape_cast %swap3A_179 : vector<16xf32> to vector<16xf32>
      %swap3A_181 = vector.shape_cast %add3A_177 : vector<16xf32> to vector<16xf32>
      tpu.vector_store %arg5[%swap3A_178], %swap3A_181 {strides = array<i32>} : memref<32768xf32, #tpu.memory_space<vmem>>, vector<16xf32>,
      %add3A_182 = arith.constant 112 : i32
      %add3A_183 = arith.addi %mul3A_92, %add3A_182 : i32
      %get3A_184 = arith.index_cast %add3A_183 : i32 to index
      %get3A_185 = tpu.vector_load %arg5[%get3A_184] {strides = array<i32>} : memref<32768xf32, #tpu.memory_space<vmem>>, vector<16xf32>,
      %get3A_186 = vector.shape_cast %get3A_185 : vector<16xf32> to vector<16xf32>
      %get3A_187 = arith.index_cast %add3A_183 : i32 to index
      %get3A_188 = tpu.vector_load %arg6[%get3A_187] {strides = array<i32>} : memref<32768xf32, #tpu.memory_space<vmem>>, vector<16xf32>,
      %get3A_189 = vector.shape_cast %get3A_188 : vector<16xf32> to vector<16xf32>
      %add3A_190 = arith.addf %get3A_186, %get3A_189 : vector<16xf32>
      %swap3A_191 = arith.index_cast %add3A_183 : i32 to index
      %swap3A_192 = tpu.vector_load %arg5[%swap3A_191] {strides = array<i32>} : memref<32768xf32, #tpu.memory_space<vmem>>, vector<16xf32>,
      %swap3A_193 = vector.shape_cast %swap3A_192 : vector<16xf32> to vector<16xf32>
      %swap3A_194 = vector.shape_cast %add3A_190 : vector<16xf32> to vector<16xf32>
      tpu.vector_store %arg5[%swap3A_191], %swap3A_194 {strides = array<i32>} : memref<32768xf32, #tpu.memory_space<vmem>>, vector<16xf32>,
      %scan3A_195 = arith.constant 0 : i32
      scf.yield %scan3A_195 : i32
    }
    %scan3A_44 = arith.constant 256 : i32
    "tpu.region"() ({
      %run_scoped3A = tpu.sem_alloc : memref<!tpu.dma_semaphore, #tpu.memory_space<semaphore_mem>>
      %dma_start3A = tpu.memref_slice %arg4[%add3A_35] : memref<8388608xf32, #tpu.memory_space<hbm>> -> memref<32768xf32, #tpu.memory_space<hbm>>
      %dma_start3A_89 = tpu.memref_slice %arg4[%add3A_35] : memref<8388608xf32, #tpu.memory_space<hbm>> -> memref<32768xf32, #tpu.memory_space<hbm>>
      tpu.enqueue_dma source(%arg5 : memref<32768xf32, #tpu.memory_space<vmem>>) target(%dma_start3A_89 : memref<32768xf32, #tpu.memory_space<hbm>>) target_semaphore(%run_scoped3A : memref<!tpu.dma_semaphore, #tpu.memory_space<semaphore_mem>>)
      %dma_wait3A = tpu.memref_slice %arg4[%add3A_35] : memref<8388608xf32, #tpu.memory_space<hbm>> -> memref<32768xf32, #tpu.memory_space<hbm>>
      %dma_wait3A_90 = tpu.memref_slice %arg4[%add3A_35] : memref<8388608xf32, #tpu.memory_space<hbm>> -> memref<32768xf32, #tpu.memory_space<hbm>>
      tpu.wait_dma2 semaphore(%run_scoped3A : memref<!tpu.dma_semaphore, #tpu.memory_space<semaphore_mem>>) src(%arg5 : memref<32768xf32, #tpu.memory_space<vmem>>) dst(%dma_wait3A_90 : memref<32768xf32, #tpu.memory_space<hbm>>)
      tpu.yield
    }) : () -> ()
    %add3A_45 = arith.constant 131072 : i32
    %add3A_46 = arith.addi %mul3A_2, %add3A_45 : i32
    %rem3A_47 = arith.constant 2097152 : i32
    %rem3A_48 = arith.remsi %add3A_46, %rem3A_47 : i32
    "tpu.region"() ({
      %run_scoped3A = tpu.sem_alloc : memref<!tpu.dma_semaphore, #tpu.memory_space<semaphore_mem>>
      %dma_start3A = tpu.memref_slice %arg2[%add3A_46] : memref<8388608xf32, #tpu.memory_space<hbm>> -> memref<32768xf32, #tpu.memory_space<hbm>>
      %dma_start3A_89 = tpu.memref_slice %arg2[%add3A_46] : memref<8388608xf32, #tpu.memory_space<hbm>> -> memref<32768xf32, #tpu.memory_space<hbm>>
      tpu.enqueue_dma source(%dma_start3A_89 : memref<32768xf32, #tpu.memory_space<hbm>>) target(%arg5 : memref<32768xf32, #tpu.memory_space<vmem>>) target_semaphore(%run_scoped3A : memref<!tpu.dma_semaphore, #tpu.memory_space<semaphore_mem>>)
      %dma_wait3A = tpu.memref_slice %arg2[%add3A_46] : memref<8388608xf32, #tpu.memory_space<hbm>> -> memref<32768xf32, #tpu.memory_space<hbm>>
      %dma_wait3A_90 = tpu.memref_slice %arg2[%add3A_46] : memref<8388608xf32, #tpu.memory_space<hbm>> -> memref<32768xf32, #tpu.memory_space<hbm>>
      tpu.wait_dma2 semaphore(%run_scoped3A : memref<!tpu.dma_semaphore, #tpu.memory_space<semaphore_mem>>) src(%dma_wait3A_90 : memref<32768xf32, #tpu.memory_space<hbm>>) dst(%arg5 : memref<32768xf32, #tpu.memory_space<vmem>>)
      tpu.yield
    }) : () -> ()
    "tpu.region"() ({
      %run_scoped3A = tpu.sem_alloc : memref<!tpu.dma_semaphore, #tpu.memory_space<semaphore_mem>>
      %dma_start3A = tpu.memref_slice %arg3[%rem3A_48] : memref<2097152xf32, #tpu.memory_space<hbm>> -> memref<32768xf32, #tpu.memory_space<hbm>>
      %dma_start3A_89 = tpu.memref_slice %arg3[%rem3A_48] : memref<2097152xf32, #tpu.memory_space<hbm>> -> memref<32768xf32, #tpu.memory_space<hbm>>
      tpu.enqueue_dma source(%dma_start3A_89 : memref<32768xf32, #tpu.memory_space<hbm>>) target(%arg6 : memref<32768xf32, #tpu.memory_space<vmem>>) target_semaphore(%run_scoped3A : memref<!tpu.dma_semaphore, #tpu.memory_space<semaphore_mem>>)
      %dma_wait3A = tpu.memref_slice %arg3[%rem3A_48] : memref<2097152xf32, #tpu.memory_space<hbm>> -> memref<32768xf32, #tpu.memory_space<hbm>>
      %dma_wait3A_90 = tpu.memref_slice %arg3[%rem3A_48] : memref<2097152xf32, #tpu.memory_space<hbm>> -> memref<32768xf32, #tpu.memory_space<hbm>>
      tpu.wait_dma2 semaphore(%run_scoped3A : memref<!tpu.dma_semaphore, #tpu.memory_space<semaphore_mem>>) src(%dma_wait3A_90 : memref<32768xf32, #tpu.memory_space<hbm>>) dst(%arg6 : memref<32768xf32, #tpu.memory_space<vmem>>)
      tpu.yield
    }) : () -> ()
    %scan3A_49 = arith.constant 0 : i32
    %scan3A_50 = arith.constant 0 : i32
    %scan3A_51 = arith.constant 256 : i32
    %scan3A_52 = arith.addi %scan3A_50, %scan3A_51 : i32
    %scan3A_53 = arith.constant 1 : i32
    %scan3A_54 = scf.for %scan3A_89 = %scan3A_50 to %scan3A_52 step %scan3A_53 iter_args(%scan3A_90 = %scan3A_49) -> (i32)  : i32 {
      %mul3A_91 = arith.constant 128 : i32
      %mul3A_92 = arith.muli %scan3A_89, %mul3A_91 : i32
      %add3A_93 = arith.constant 0 : i32
      %add3A_94 = arith.addi %mul3A_92, %add3A_93 : i32
      %get3A = arith.index_cast %add3A_94 : i32 to index
      %get3A_95 = tpu.vector_load %arg5[%get3A] {strides = array<i32>} : memref<32768xf32, #tpu.memory_space<vmem>>, vector<16xf32>,
      %get3A_96 = vector.shape_cast %get3A_95 : vector<16xf32> to vector<16xf32>
      %get3A_97 = arith.index_cast %add3A_94 : i32 to index
      %get3A_98 = tpu.vector_load %arg6[%get3A_97] {strides = array<i32>} : memref<32768xf32, #tpu.memory_space<vmem>>, vector<16xf32>,
      %get3A_99 = vector.shape_cast %get3A_98 : vector<16xf32> to vector<16xf32>
      %add3A_100 = arith.addf %get3A_96, %get3A_99 : vector<16xf32>
      %swap3A = arith.index_cast %add3A_94 : i32 to index
      %swap3A_101 = tpu.vector_load %arg5[%swap3A] {strides = array<i32>} : memref<32768xf32, #tpu.memory_space<vmem>>, vector<16xf32>,
      %swap3A_102 = vector.shape_cast %swap3A_101 : vector<16xf32> to vector<16xf32>
      %swap3A_103 = vector.shape_cast %add3A_100 : vector<16xf32> to vector<16xf32>
      tpu.vector_store %arg5[%swap3A], %swap3A_103 {strides = array<i32>} : memref<32768xf32, #tpu.memory_space<vmem>>, vector<16xf32>,
      %add3A_104 = arith.constant 16 : i32
      %add3A_105 = arith.addi %mul3A_92, %add3A_104 : i32
      %get3A_106 = arith.index_cast %add3A_105 : i32 to index
      %get3A_107 = tpu.vector_load %arg5[%get3A_106] {strides = array<i32>} : memref<32768xf32, #tpu.memory_space<vmem>>, vector<16xf32>,
      %get3A_108 = vector.shape_cast %get3A_107 : vector<16xf32> to vector<16xf32>
      %get3A_109 = arith.index_cast %add3A_105 : i32 to index
      %get3A_110 = tpu.vector_load %arg6[%get3A_109] {strides = array<i32>} : memref<32768xf32, #tpu.memory_space<vmem>>, vector<16xf32>,
      %get3A_111 = vector.shape_cast %get3A_110 : vector<16xf32> to vector<16xf32>
      %add3A_112 = arith.addf %get3A_108, %get3A_111 : vector<16xf32>
      %swap3A_113 = arith.index_cast %add3A_105 : i32 to index
      %swap3A_114 = tpu.vector_load %arg5[%swap3A_113] {strides = array<i32>} : memref<32768xf32, #tpu.memory_space<vmem>>, vector<16xf32>,
      %swap3A_115 = vector.shape_cast %swap3A_114 : vector<16xf32> to vector<16xf32>
      %swap3A_116 = vector.shape_cast %add3A_112 : vector<16xf32> to vector<16xf32>
      tpu.vector_store %arg5[%swap3A_113], %swap3A_116 {strides = array<i32>} : memref<32768xf32, #tpu.memory_space<vmem>>, vector<16xf32>,
      %add3A_117 = arith.constant 32 : i32
      %add3A_118 = arith.addi %mul3A_92, %add3A_117 : i32
      %get3A_119 = arith.index_cast %add3A_118 : i32 to index
      %get3A_120 = tpu.vector_load %arg5[%get3A_119] {strides = array<i32>} : memref<32768xf32, #tpu.memory_space<vmem>>, vector<16xf32>,
      %get3A_121 = vector.shape_cast %get3A_120 : vector<16xf32> to vector<16xf32>
      %get3A_122 = arith.index_cast %add3A_118 : i32 to index
      %get3A_123 = tpu.vector_load %arg6[%get3A_122] {strides = array<i32>} : memref<32768xf32, #tpu.memory_space<vmem>>, vector<16xf32>,
      %get3A_124 = vector.shape_cast %get3A_123 : vector<16xf32> to vector<16xf32>
      %add3A_125 = arith.addf %get3A_121, %get3A_124 : vector<16xf32>
      %swap3A_126 = arith.index_cast %add3A_118 : i32 to index
      %swap3A_127 = tpu.vector_load %arg5[%swap3A_126] {strides = array<i32>} : memref<32768xf32, #tpu.memory_space<vmem>>, vector<16xf32>,
      %swap3A_128 = vector.shape_cast %swap3A_127 : vector<16xf32> to vector<16xf32>
      %swap3A_129 = vector.shape_cast %add3A_125 : vector<16xf32> to vector<16xf32>
      tpu.vector_store %arg5[%swap3A_126], %swap3A_129 {strides = array<i32>} : memref<32768xf32, #tpu.memory_space<vmem>>, vector<16xf32>,
      %add3A_130 = arith.constant 48 : i32
      %add3A_131 = arith.addi %mul3A_92, %add3A_130 : i32
      %get3A_132 = arith.index_cast %add3A_131 : i32 to index
      %get3A_133 = tpu.vector_load %arg5[%get3A_132] {strides = array<i32>} : memref<32768xf32, #tpu.memory_space<vmem>>, vector<16xf32>,
      %get3A_134 = vector.shape_cast %get3A_133 : vector<16xf32> to vector<16xf32>
      %get3A_135 = arith.index_cast %add3A_131 : i32 to index
      %get3A_136 = tpu.vector_load %arg6[%get3A_135] {strides = array<i32>} : memref<32768xf32, #tpu.memory_space<vmem>>, vector<16xf32>,
      %get3A_137 = vector.shape_cast %get3A_136 : vector<16xf32> to vector<16xf32>
      %add3A_138 = arith.addf %get3A_134, %get3A_137 : vector<16xf32>
      %swap3A_139 = arith.index_cast %add3A_131 : i32 to index
      %swap3A_140 = tpu.vector_load %arg5[%swap3A_139] {strides = array<i32>} : memref<32768xf32, #tpu.memory_space<vmem>>, vector<16xf32>,
      %swap3A_141 = vector.shape_cast %swap3A_140 : vector<16xf32> to vector<16xf32>
      %swap3A_142 = vector.shape_cast %add3A_138 : vector<16xf32> to vector<16xf32>
      tpu.vector_store %arg5[%swap3A_139], %swap3A_142 {strides = array<i32>} : memref<32768xf32, #tpu.memory_space<vmem>>, vector<16xf32>,
      %add3A_143 = arith.constant 64 : i32
      %add3A_144 = arith.addi %mul3A_92, %add3A_143 : i32
      %get3A_145 = arith.index_cast %add3A_144 : i32 to index
      %get3A_146 = tpu.vector_load %arg5[%get3A_145] {strides = array<i32>} : memref<32768xf32, #tpu.memory_space<vmem>>, vector<16xf32>,
      %get3A_147 = vector.shape_cast %get3A_146 : vector<16xf32> to vector<16xf32>
      %get3A_148 = arith.index_cast %add3A_144 : i32 to index
      %get3A_149 = tpu.vector_load %arg6[%get3A_148] {strides = array<i32>} : memref<32768xf32, #tpu.memory_space<vmem>>, vector<16xf32>,
      %get3A_150 = vector.shape_cast %get3A_149 : vector<16xf32> to vector<16xf32>
      %add3A_151 = arith.addf %get3A_147, %get3A_150 : vector<16xf32>
      %swap3A_152 = arith.index_cast %add3A_144 : i32 to index
      %swap3A_153 = tpu.vector_load %arg5[%swap3A_152] {strides = array<i32>} : memref<32768xf32, #tpu.memory_space<vmem>>, vector<16xf32>,
      %swap3A_154 = vector.shape_cast %swap3A_153 : vector<16xf32> to vector<16xf32>
      %swap3A_155 = vector.shape_cast %add3A_151 : vector<16xf32> to vector<16xf32>
      tpu.vector_store %arg5[%swap3A_152], %swap3A_155 {strides = array<i32>} : memref<32768xf32, #tpu.memory_space<vmem>>, vector<16xf32>,
      %add3A_156 = arith.constant 80 : i32
      %add3A_157 = arith.addi %mul3A_92, %add3A_156 : i32
      %get3A_158 = arith.index_cast %add3A_157 : i32 to index
      %get3A_159 = tpu.vector_load %arg5[%get3A_158] {strides = array<i32>} : memref<32768xf32, #tpu.memory_space<vmem>>, vector<16xf32>,
      %get3A_160 = vector.shape_cast %get3A_159 : vector<16xf32> to vector<16xf32>
      %get3A_161 = arith.index_cast %add3A_157 : i32 to index
      %get3A_162 = tpu.vector_load %arg6[%get3A_161] {strides = array<i32>} : memref<32768xf32, #tpu.memory_space<vmem>>, vector<16xf32>,
      %get3A_163 = vector.shape_cast %get3A_162 : vector<16xf32> to vector<16xf32>
      %add3A_164 = arith.addf %get3A_160, %get3A_163 : vector<16xf32>
      %swap3A_165 = arith.index_cast %add3A_157 : i32 to index
      %swap3A_166 = tpu.vector_load %arg5[%swap3A_165] {strides = array<i32>} : memref<32768xf32, #tpu.memory_space<vmem>>, vector<16xf32>,
      %swap3A_167 = vector.shape_cast %swap3A_166 : vector<16xf32> to vector<16xf32>
      %swap3A_168 = vector.shape_cast %add3A_164 : vector<16xf32> to vector<16xf32>
      tpu.vector_store %arg5[%swap3A_165], %swap3A_168 {strides = array<i32>} : memref<32768xf32, #tpu.memory_space<vmem>>, vector<16xf32>,
      %add3A_169 = arith.constant 96 : i32
      %add3A_170 = arith.addi %mul3A_92, %add3A_169 : i32
      %get3A_171 = arith.index_cast %add3A_170 : i32 to index
      %get3A_172 = tpu.vector_load %arg5[%get3A_171] {strides = array<i32>} : memref<32768xf32, #tpu.memory_space<vmem>>, vector<16xf32>,
      %get3A_173 = vector.shape_cast %get3A_172 : vector<16xf32> to vector<16xf32>
      %get3A_174 = arith.index_cast %add3A_170 : i32 to index
      %get3A_175 = tpu.vector_load %arg6[%get3A_174] {strides = array<i32>} : memref<32768xf32, #tpu.memory_space<vmem>>, vector<16xf32>,
      %get3A_176 = vector.shape_cast %get3A_175 : vector<16xf32> to vector<16xf32>
      %add3A_177 = arith.addf %get3A_173, %get3A_176 : vector<16xf32>
      %swap3A_178 = arith.index_cast %add3A_170 : i32 to index
      %swap3A_179 = tpu.vector_load %arg5[%swap3A_178] {strides = array<i32>} : memref<32768xf32, #tpu.memory_space<vmem>>, vector<16xf32>,
      %swap3A_180 = vector.shape_cast %swap3A_179 : vector<16xf32> to vector<16xf32>
      %swap3A_181 = vector.shape_cast %add3A_177 : vector<16xf32> to vector<16xf32>
      tpu.vector_store %arg5[%swap3A_178], %swap3A_181 {strides = array<i32>} : memref<32768xf32, #tpu.memory_space<vmem>>, vector<16xf32>,
      %add3A_182 = arith.constant 112 : i32
      %add3A_183 = arith.addi %mul3A_92, %add3A_182 : i32
      %get3A_184 = arith.index_cast %add3A_183 : i32 to index
      %get3A_185 = tpu.vector_load %arg5[%get3A_184] {strides = array<i32>} : memref<32768xf32, #tpu.memory_space<vmem>>, vector<16xf32>,
      %get3A_186 = vector.shape_cast %get3A_185 : vector<16xf32> to vector<16xf32>
      %get3A_187 = arith.index_cast %add3A_183 : i32 to index
      %get3A_188 = tpu.vector_load %arg6[%get3A_187] {strides = array<i32>} : memref<32768xf32, #tpu.memory_space<vmem>>, vector<16xf32>,
      %get3A_189 = vector.shape_cast %get3A_188 : vector<16xf32> to vector<16xf32>
      %add3A_190 = arith.addf %get3A_186, %get3A_189 : vector<16xf32>
      %swap3A_191 = arith.index_cast %add3A_183 : i32 to index
      %swap3A_192 = tpu.vector_load %arg5[%swap3A_191] {strides = array<i32>} : memref<32768xf32, #tpu.memory_space<vmem>>, vector<16xf32>,
      %swap3A_193 = vector.shape_cast %swap3A_192 : vector<16xf32> to vector<16xf32>
      %swap3A_194 = vector.shape_cast %add3A_190 : vector<16xf32> to vector<16xf32>
      tpu.vector_store %arg5[%swap3A_191], %swap3A_194 {strides = array<i32>} : memref<32768xf32, #tpu.memory_space<vmem>>, vector<16xf32>,
      %scan3A_195 = arith.constant 0 : i32
      scf.yield %scan3A_195 : i32
    }
    %scan3A_55 = arith.constant 256 : i32
    "tpu.region"() ({
      %run_scoped3A = tpu.sem_alloc : memref<!tpu.dma_semaphore, #tpu.memory_space<semaphore_mem>>
      %dma_start3A = tpu.memref_slice %arg4[%add3A_46] : memref<8388608xf32, #tpu.memory_space<hbm>> -> memref<32768xf32, #tpu.memory_space<hbm>>
      %dma_start3A_89 = tpu.memref_slice %arg4[%add3A_46] : memref<8388608xf32, #tpu.memory_space<hbm>> -> memref<32768xf32, #tpu.memory_space<hbm>>
      tpu.enqueue_dma source(%arg5 : memref<32768xf32, #tpu.memory_space<vmem>>) target(%dma_start3A_89 : memref<32768xf32, #tpu.memory_space<hbm>>) target_semaphore(%run_scoped3A : memref<!tpu.dma_semaphore, #tpu.memory_space<semaphore_mem>>)
      %dma_wait3A = tpu.memref_slice %arg4[%add3A_46] : memref<8388608xf32, #tpu.memory_space<hbm>> -> memref<32768xf32, #tpu.memory_space<hbm>>
      %dma_wait3A_90 = tpu.memref_slice %arg4[%add3A_46] : memref<8388608xf32, #tpu.memory_space<hbm>> -> memref<32768xf32, #tpu.memory_space<hbm>>
      tpu.wait_dma2 semaphore(%run_scoped3A : memref<!tpu.dma_semaphore, #tpu.memory_space<semaphore_mem>>) src(%arg5 : memref<32768xf32, #tpu.memory_space<vmem>>) dst(%dma_wait3A_90 : memref<32768xf32, #tpu.memory_space<hbm>>)
      tpu.yield
    }) : () -> ()
    %add3A_56 = arith.constant 163840 : i32
    %add3A_57 = arith.addi %mul3A_2, %add3A_56 : i32
    %rem3A_58 = arith.constant 2097152 : i32
    %rem3A_59 = arith.remsi %add3A_57, %rem3A_58 : i32
    "tpu.region"() ({
      %run_scoped3A = tpu.sem_alloc : memref<!tpu.dma_semaphore, #tpu.memory_space<semaphore_mem>>
      %dma_start3A = tpu.memref_slice %arg2[%add3A_57] : memref<8388608xf32, #tpu.memory_space<hbm>> -> memref<32768xf32, #tpu.memory_space<hbm>>
      %dma_start3A_89 = tpu.memref_slice %arg2[%add3A_57] : memref<8388608xf32, #tpu.memory_space<hbm>> -> memref<32768xf32, #tpu.memory_space<hbm>>
      tpu.enqueue_dma source(%dma_start3A_89 : memref<32768xf32, #tpu.memory_space<hbm>>) target(%arg5 : memref<32768xf32, #tpu.memory_space<vmem>>) target_semaphore(%run_scoped3A : memref<!tpu.dma_semaphore, #tpu.memory_space<semaphore_mem>>)
      %dma_wait3A = tpu.memref_slice %arg2[%add3A_57] : memref<8388608xf32, #tpu.memory_space<hbm>> -> memref<32768xf32, #tpu.memory_space<hbm>>
      %dma_wait3A_90 = tpu.memref_slice %arg2[%add3A_57] : memref<8388608xf32, #tpu.memory_space<hbm>> -> memref<32768xf32, #tpu.memory_space<hbm>>
      tpu.wait_dma2 semaphore(%run_scoped3A : memref<!tpu.dma_semaphore, #tpu.memory_space<semaphore_mem>>) src(%dma_wait3A_90 : memref<32768xf32, #tpu.memory_space<hbm>>) dst(%arg5 : memref<32768xf32, #tpu.memory_space<vmem>>)
      tpu.yield
    }) : () -> ()
    "tpu.region"() ({
      %run_scoped3A = tpu.sem_alloc : memref<!tpu.dma_semaphore, #tpu.memory_space<semaphore_mem>>
      %dma_start3A = tpu.memref_slice %arg3[%rem3A_59] : memref<2097152xf32, #tpu.memory_space<hbm>> -> memref<32768xf32, #tpu.memory_space<hbm>>
      %dma_start3A_89 = tpu.memref_slice %arg3[%rem3A_59] : memref<2097152xf32, #tpu.memory_space<hbm>> -> memref<32768xf32, #tpu.memory_space<hbm>>
      tpu.enqueue_dma source(%dma_start3A_89 : memref<32768xf32, #tpu.memory_space<hbm>>) target(%arg6 : memref<32768xf32, #tpu.memory_space<vmem>>) target_semaphore(%run_scoped3A : memref<!tpu.dma_semaphore, #tpu.memory_space<semaphore_mem>>)
      %dma_wait3A = tpu.memref_slice %arg3[%rem3A_59] : memref<2097152xf32, #tpu.memory_space<hbm>> -> memref<32768xf32, #tpu.memory_space<hbm>>
      %dma_wait3A_90 = tpu.memref_slice %arg3[%rem3A_59] : memref<2097152xf32, #tpu.memory_space<hbm>> -> memref<32768xf32, #tpu.memory_space<hbm>>
      tpu.wait_dma2 semaphore(%run_scoped3A : memref<!tpu.dma_semaphore, #tpu.memory_space<semaphore_mem>>) src(%dma_wait3A_90 : memref<32768xf32, #tpu.memory_space<hbm>>) dst(%arg6 : memref<32768xf32, #tpu.memory_space<vmem>>)
      tpu.yield
    }) : () -> ()
    %scan3A_60 = arith.constant 0 : i32
    %scan3A_61 = arith.constant 0 : i32
    %scan3A_62 = arith.constant 256 : i32
    %scan3A_63 = arith.addi %scan3A_61, %scan3A_62 : i32
    %scan3A_64 = arith.constant 1 : i32
    %scan3A_65 = scf.for %scan3A_89 = %scan3A_61 to %scan3A_63 step %scan3A_64 iter_args(%scan3A_90 = %scan3A_60) -> (i32)  : i32 {
      %mul3A_91 = arith.constant 128 : i32
      %mul3A_92 = arith.muli %scan3A_89, %mul3A_91 : i32
      %add3A_93 = arith.constant 0 : i32
      %add3A_94 = arith.addi %mul3A_92, %add3A_93 : i32
      %get3A = arith.index_cast %add3A_94 : i32 to index
      %get3A_95 = tpu.vector_load %arg5[%get3A] {strides = array<i32>} : memref<32768xf32, #tpu.memory_space<vmem>>, vector<16xf32>,
      %get3A_96 = vector.shape_cast %get3A_95 : vector<16xf32> to vector<16xf32>
      %get3A_97 = arith.index_cast %add3A_94 : i32 to index
      %get3A_98 = tpu.vector_load %arg6[%get3A_97] {strides = array<i32>} : memref<32768xf32, #tpu.memory_space<vmem>>, vector<16xf32>,
      %get3A_99 = vector.shape_cast %get3A_98 : vector<16xf32> to vector<16xf32>
      %add3A_100 = arith.addf %get3A_96, %get3A_99 : vector<16xf32>
      %swap3A = arith.index_cast %add3A_94 : i32 to index
      %swap3A_101 = tpu.vector_load %arg5[%swap3A] {strides = array<i32>} : memref<32768xf32, #tpu.memory_space<vmem>>, vector<16xf32>,
      %swap3A_102 = vector.shape_cast %swap3A_101 : vector<16xf32> to vector<16xf32>
      %swap3A_103 = vector.shape_cast %add3A_100 : vector<16xf32> to vector<16xf32>
      tpu.vector_store %arg5[%swap3A], %swap3A_103 {strides = array<i32>} : memref<32768xf32, #tpu.memory_space<vmem>>, vector<16xf32>,
      %add3A_104 = arith.constant 16 : i32
      %add3A_105 = arith.addi %mul3A_92, %add3A_104 : i32
      %get3A_106 = arith.index_cast %add3A_105 : i32 to index
      %get3A_107 = tpu.vector_load %arg5[%get3A_106] {strides = array<i32>} : memref<32768xf32, #tpu.memory_space<vmem>>, vector<16xf32>,
      %get3A_108 = vector.shape_cast %get3A_107 : vector<16xf32> to vector<16xf32>
      %get3A_109 = arith.index_cast %add3A_105 : i32 to index
      %get3A_110 = tpu.vector_load %arg6[%get3A_109] {strides = array<i32>} : memref<32768xf32, #tpu.memory_space<vmem>>, vector<16xf32>,
      %get3A_111 = vector.shape_cast %get3A_110 : vector<16xf32> to vector<16xf32>
      %add3A_112 = arith.addf %get3A_108, %get3A_111 : vector<16xf32>
      %swap3A_113 = arith.index_cast %add3A_105 : i32 to index
      %swap3A_114 = tpu.vector_load %arg5[%swap3A_113] {strides = array<i32>} : memref<32768xf32, #tpu.memory_space<vmem>>, vector<16xf32>,
      %swap3A_115 = vector.shape_cast %swap3A_114 : vector<16xf32> to vector<16xf32>
      %swap3A_116 = vector.shape_cast %add3A_112 : vector<16xf32> to vector<16xf32>
      tpu.vector_store %arg5[%swap3A_113], %swap3A_116 {strides = array<i32>} : memref<32768xf32, #tpu.memory_space<vmem>>, vector<16xf32>,
      %add3A_117 = arith.constant 32 : i32
      %add3A_118 = arith.addi %mul3A_92, %add3A_117 : i32
      %get3A_119 = arith.index_cast %add3A_118 : i32 to index
      %get3A_120 = tpu.vector_load %arg5[%get3A_119] {strides = array<i32>} : memref<32768xf32, #tpu.memory_space<vmem>>, vector<16xf32>,
      %get3A_121 = vector.shape_cast %get3A_120 : vector<16xf32> to vector<16xf32>
      %get3A_122 = arith.index_cast %add3A_118 : i32 to index
      %get3A_123 = tpu.vector_load %arg6[%get3A_122] {strides = array<i32>} : memref<32768xf32, #tpu.memory_space<vmem>>, vector<16xf32>,
      %get3A_124 = vector.shape_cast %get3A_123 : vector<16xf32> to vector<16xf32>
      %add3A_125 = arith.addf %get3A_121, %get3A_124 : vector<16xf32>
      %swap3A_126 = arith.index_cast %add3A_118 : i32 to index
      %swap3A_127 = tpu.vector_load %arg5[%swap3A_126] {strides = array<i32>} : memref<32768xf32, #tpu.memory_space<vmem>>, vector<16xf32>,
      %swap3A_128 = vector.shape_cast %swap3A_127 : vector<16xf32> to vector<16xf32>
      %swap3A_129 = vector.shape_cast %add3A_125 : vector<16xf32> to vector<16xf32>
      tpu.vector_store %arg5[%swap3A_126], %swap3A_129 {strides = array<i32>} : memref<32768xf32, #tpu.memory_space<vmem>>, vector<16xf32>,
      %add3A_130 = arith.constant 48 : i32
      %add3A_131 = arith.addi %mul3A_92, %add3A_130 : i32
      %get3A_132 = arith.index_cast %add3A_131 : i32 to index
      %get3A_133 = tpu.vector_load %arg5[%get3A_132] {strides = array<i32>} : memref<32768xf32, #tpu.memory_space<vmem>>, vector<16xf32>,
      %get3A_134 = vector.shape_cast %get3A_133 : vector<16xf32> to vector<16xf32>
      %get3A_135 = arith.index_cast %add3A_131 : i32 to index
      %get3A_136 = tpu.vector_load %arg6[%get3A_135] {strides = array<i32>} : memref<32768xf32, #tpu.memory_space<vmem>>, vector<16xf32>,
      %get3A_137 = vector.shape_cast %get3A_136 : vector<16xf32> to vector<16xf32>
      %add3A_138 = arith.addf %get3A_134, %get3A_137 : vector<16xf32>
      %swap3A_139 = arith.index_cast %add3A_131 : i32 to index
      %swap3A_140 = tpu.vector_load %arg5[%swap3A_139] {strides = array<i32>} : memref<32768xf32, #tpu.memory_space<vmem>>, vector<16xf32>,
      %swap3A_141 = vector.shape_cast %swap3A_140 : vector<16xf32> to vector<16xf32>
      %swap3A_142 = vector.shape_cast %add3A_138 : vector<16xf32> to vector<16xf32>
      tpu.vector_store %arg5[%swap3A_139], %swap3A_142 {strides = array<i32>} : memref<32768xf32, #tpu.memory_space<vmem>>, vector<16xf32>,
      %add3A_143 = arith.constant 64 : i32
      %add3A_144 = arith.addi %mul3A_92, %add3A_143 : i32
      %get3A_145 = arith.index_cast %add3A_144 : i32 to index
      %get3A_146 = tpu.vector_load %arg5[%get3A_145] {strides = array<i32>} : memref<32768xf32, #tpu.memory_space<vmem>>, vector<16xf32>,
      %get3A_147 = vector.shape_cast %get3A_146 : vector<16xf32> to vector<16xf32>
      %get3A_148 = arith.index_cast %add3A_144 : i32 to index
      %get3A_149 = tpu.vector_load %arg6[%get3A_148] {strides = array<i32>} : memref<32768xf32, #tpu.memory_space<vmem>>, vector<16xf32>,
      %get3A_150 = vector.shape_cast %get3A_149 : vector<16xf32> to vector<16xf32>
      %add3A_151 = arith.addf %get3A_147, %get3A_150 : vector<16xf32>
      %swap3A_152 = arith.index_cast %add3A_144 : i32 to index
      %swap3A_153 = tpu.vector_load %arg5[%swap3A_152] {strides = array<i32>} : memref<32768xf32, #tpu.memory_space<vmem>>, vector<16xf32>,
      %swap3A_154 = vector.shape_cast %swap3A_153 : vector<16xf32> to vector<16xf32>
      %swap3A_155 = vector.shape_cast %add3A_151 : vector<16xf32> to vector<16xf32>
      tpu.vector_store %arg5[%swap3A_152], %swap3A_155 {strides = array<i32>} : memref<32768xf32, #tpu.memory_space<vmem>>, vector<16xf32>,
      %add3A_156 = arith.constant 80 : i32
      %add3A_157 = arith.addi %mul3A_92, %add3A_156 : i32
      %get3A_158 = arith.index_cast %add3A_157 : i32 to index
      %get3A_159 = tpu.vector_load %arg5[%get3A_158] {strides = array<i32>} : memref<32768xf32, #tpu.memory_space<vmem>>, vector<16xf32>,
      %get3A_160 = vector.shape_cast %get3A_159 : vector<16xf32> to vector<16xf32>
      %get3A_161 = arith.index_cast %add3A_157 : i32 to index
      %get3A_162 = tpu.vector_load %arg6[%get3A_161] {strides = array<i32>} : memref<32768xf32, #tpu.memory_space<vmem>>, vector<16xf32>,
      %get3A_163 = vector.shape_cast %get3A_162 : vector<16xf32> to vector<16xf32>
      %add3A_164 = arith.addf %get3A_160, %get3A_163 : vector<16xf32>
      %swap3A_165 = arith.index_cast %add3A_157 : i32 to index
      %swap3A_166 = tpu.vector_load %arg5[%swap3A_165] {strides = array<i32>} : memref<32768xf32, #tpu.memory_space<vmem>>, vector<16xf32>,
      %swap3A_167 = vector.shape_cast %swap3A_166 : vector<16xf32> to vector<16xf32>
      %swap3A_168 = vector.shape_cast %add3A_164 : vector<16xf32> to vector<16xf32>
      tpu.vector_store %arg5[%swap3A_165], %swap3A_168 {strides = array<i32>} : memref<32768xf32, #tpu.memory_space<vmem>>, vector<16xf32>,
      %add3A_169 = arith.constant 96 : i32
      %add3A_170 = arith.addi %mul3A_92, %add3A_169 : i32
      %get3A_171 = arith.index_cast %add3A_170 : i32 to index
      %get3A_172 = tpu.vector_load %arg5[%get3A_171] {strides = array<i32>} : memref<32768xf32, #tpu.memory_space<vmem>>, vector<16xf32>,
      %get3A_173 = vector.shape_cast %get3A_172 : vector<16xf32> to vector<16xf32>
      %get3A_174 = arith.index_cast %add3A_170 : i32 to index
      %get3A_175 = tpu.vector_load %arg6[%get3A_174] {strides = array<i32>} : memref<32768xf32, #tpu.memory_space<vmem>>, vector<16xf32>,
      %get3A_176 = vector.shape_cast %get3A_175 : vector<16xf32> to vector<16xf32>
      %add3A_177 = arith.addf %get3A_173, %get3A_176 : vector<16xf32>
      %swap3A_178 = arith.index_cast %add3A_170 : i32 to index
      %swap3A_179 = tpu.vector_load %arg5[%swap3A_178] {strides = array<i32>} : memref<32768xf32, #tpu.memory_space<vmem>>, vector<16xf32>,
      %swap3A_180 = vector.shape_cast %swap3A_179 : vector<16xf32> to vector<16xf32>
      %swap3A_181 = vector.shape_cast %add3A_177 : vector<16xf32> to vector<16xf32>
      tpu.vector_store %arg5[%swap3A_178], %swap3A_181 {strides = array<i32>} : memref<32768xf32, #tpu.memory_space<vmem>>, vector<16xf32>,
      %add3A_182 = arith.constant 112 : i32
      %add3A_183 = arith.addi %mul3A_92, %add3A_182 : i32
      %get3A_184 = arith.index_cast %add3A_183 : i32 to index
      %get3A_185 = tpu.vector_load %arg5[%get3A_184] {strides = array<i32>} : memref<32768xf32, #tpu.memory_space<vmem>>, vector<16xf32>,
      %get3A_186 = vector.shape_cast %get3A_185 : vector<16xf32> to vector<16xf32>
      %get3A_187 = arith.index_cast %add3A_183 : i32 to index
      %get3A_188 = tpu.vector_load %arg6[%get3A_187] {strides = array<i32>} : memref<32768xf32, #tpu.memory_space<vmem>>, vector<16xf32>,
      %get3A_189 = vector.shape_cast %get3A_188 : vector<16xf32> to vector<16xf32>
      %add3A_190 = arith.addf %get3A_186, %get3A_189 : vector<16xf32>
      %swap3A_191 = arith.index_cast %add3A_183 : i32 to index
      %swap3A_192 = tpu.vector_load %arg5[%swap3A_191] {strides = array<i32>} : memref<32768xf32, #tpu.memory_space<vmem>>, vector<16xf32>,
      %swap3A_193 = vector.shape_cast %swap3A_192 : vector<16xf32> to vector<16xf32>
      %swap3A_194 = vector.shape_cast %add3A_190 : vector<16xf32> to vector<16xf32>
      tpu.vector_store %arg5[%swap3A_191], %swap3A_194 {strides = array<i32>} : memref<32768xf32, #tpu.memory_space<vmem>>, vector<16xf32>,
      %scan3A_195 = arith.constant 0 : i32
      scf.yield %scan3A_195 : i32
    }
    %scan3A_66 = arith.constant 256 : i32
    "tpu.region"() ({
      %run_scoped3A = tpu.sem_alloc : memref<!tpu.dma_semaphore, #tpu.memory_space<semaphore_mem>>
      %dma_start3A = tpu.memref_slice %arg4[%add3A_57] : memref<8388608xf32, #tpu.memory_space<hbm>> -> memref<32768xf32, #tpu.memory_space<hbm>>
      %dma_start3A_89 = tpu.memref_slice %arg4[%add3A_57] : memref<8388608xf32, #tpu.memory_space<hbm>> -> memref<32768xf32, #tpu.memory_space<hbm>>
      tpu.enqueue_dma source(%arg5 : memref<32768xf32, #tpu.memory_space<vmem>>) target(%dma_start3A_89 : memref<32768xf32, #tpu.memory_space<hbm>>) target_semaphore(%run_scoped3A : memref<!tpu.dma_semaphore, #tpu.memory_space<semaphore_mem>>)
      %dma_wait3A = tpu.memref_slice %arg4[%add3A_57] : memref<8388608xf32, #tpu.memory_space<hbm>> -> memref<32768xf32, #tpu.memory_space<hbm>>
      %dma_wait3A_90 = tpu.memref_slice %arg4[%add3A_57] : memref<8388608xf32, #tpu.memory_space<hbm>> -> memref<32768xf32, #tpu.memory_space<hbm>>
      tpu.wait_dma2 semaphore(%run_scoped3A : memref<!tpu.dma_semaphore, #tpu.memory_space<semaphore_mem>>) src(%arg5 : memref<32768xf32, #tpu.memory_space<vmem>>) dst(%dma_wait3A_90 : memref<32768xf32, #tpu.memory_space<hbm>>)
      tpu.yield
    }) : () -> ()
    %add3A_67 = arith.constant 196608 : i32
    %add3A_68 = arith.addi %mul3A_2, %add3A_67 : i32
    %rem3A_69 = arith.constant 2097152 : i32
    %rem3A_70 = arith.remsi %add3A_68, %rem3A_69 : i32
    "tpu.region"() ({
      %run_scoped3A = tpu.sem_alloc : memref<!tpu.dma_semaphore, #tpu.memory_space<semaphore_mem>>
      %dma_start3A = tpu.memref_slice %arg2[%add3A_68] : memref<8388608xf32, #tpu.memory_space<hbm>> -> memref<32768xf32, #tpu.memory_space<hbm>>
      %dma_start3A_89 = tpu.memref_slice %arg2[%add3A_68] : memref<8388608xf32, #tpu.memory_space<hbm>> -> memref<32768xf32, #tpu.memory_space<hbm>>
      tpu.enqueue_dma source(%dma_start3A_89 : memref<32768xf32, #tpu.memory_space<hbm>>) target(%arg5 : memref<32768xf32, #tpu.memory_space<vmem>>) target_semaphore(%run_scoped3A : memref<!tpu.dma_semaphore, #tpu.memory_space<semaphore_mem>>)
      %dma_wait3A = tpu.memref_slice %arg2[%add3A_68] : memref<8388608xf32, #tpu.memory_space<hbm>> -> memref<32768xf32, #tpu.memory_space<hbm>>
      %dma_wait3A_90 = tpu.memref_slice %arg2[%add3A_68] : memref<8388608xf32, #tpu.memory_space<hbm>> -> memref<32768xf32, #tpu.memory_space<hbm>>
      tpu.wait_dma2 semaphore(%run_scoped3A : memref<!tpu.dma_semaphore, #tpu.memory_space<semaphore_mem>>) src(%dma_wait3A_90 : memref<32768xf32, #tpu.memory_space<hbm>>) dst(%arg5 : memref<32768xf32, #tpu.memory_space<vmem>>)
      tpu.yield
    }) : () -> ()
    "tpu.region"() ({
      %run_scoped3A = tpu.sem_alloc : memref<!tpu.dma_semaphore, #tpu.memory_space<semaphore_mem>>
      %dma_start3A = tpu.memref_slice %arg3[%rem3A_70] : memref<2097152xf32, #tpu.memory_space<hbm>> -> memref<32768xf32, #tpu.memory_space<hbm>>
      %dma_start3A_89 = tpu.memref_slice %arg3[%rem3A_70] : memref<2097152xf32, #tpu.memory_space<hbm>> -> memref<32768xf32, #tpu.memory_space<hbm>>
      tpu.enqueue_dma source(%dma_start3A_89 : memref<32768xf32, #tpu.memory_space<hbm>>) target(%arg6 : memref<32768xf32, #tpu.memory_space<vmem>>) target_semaphore(%run_scoped3A : memref<!tpu.dma_semaphore, #tpu.memory_space<semaphore_mem>>)
      %dma_wait3A = tpu.memref_slice %arg3[%rem3A_70] : memref<2097152xf32, #tpu.memory_space<hbm>> -> memref<32768xf32, #tpu.memory_space<hbm>>
      %dma_wait3A_90 = tpu.memref_slice %arg3[%rem3A_70] : memref<2097152xf32, #tpu.memory_space<hbm>> -> memref<32768xf32, #tpu.memory_space<hbm>>
      tpu.wait_dma2 semaphore(%run_scoped3A : memref<!tpu.dma_semaphore, #tpu.memory_space<semaphore_mem>>) src(%dma_wait3A_90 : memref<32768xf32, #tpu.memory_space<hbm>>) dst(%arg6 : memref<32768xf32, #tpu.memory_space<vmem>>)
      tpu.yield
    }) : () -> ()
    %scan3A_71 = arith.constant 0 : i32
    %scan3A_72 = arith.constant 0 : i32
    %scan3A_73 = arith.constant 256 : i32
    %scan3A_74 = arith.addi %scan3A_72, %scan3A_73 : i32
    %scan3A_75 = arith.constant 1 : i32
    %scan3A_76 = scf.for %scan3A_89 = %scan3A_72 to %scan3A_74 step %scan3A_75 iter_args(%scan3A_90 = %scan3A_71) -> (i32)  : i32 {
      %mul3A_91 = arith.constant 128 : i32
      %mul3A_92 = arith.muli %scan3A_89, %mul3A_91 : i32
      %add3A_93 = arith.constant 0 : i32
      %add3A_94 = arith.addi %mul3A_92, %add3A_93 : i32
      %get3A = arith.index_cast %add3A_94 : i32 to index
      %get3A_95 = tpu.vector_load %arg5[%get3A] {strides = array<i32>} : memref<32768xf32, #tpu.memory_space<vmem>>, vector<16xf32>,
      %get3A_96 = vector.shape_cast %get3A_95 : vector<16xf32> to vector<16xf32>
      %get3A_97 = arith.index_cast %add3A_94 : i32 to index
      %get3A_98 = tpu.vector_load %arg6[%get3A_97] {strides = array<i32>} : memref<32768xf32, #tpu.memory_space<vmem>>, vector<16xf32>,
      %get3A_99 = vector.shape_cast %get3A_98 : vector<16xf32> to vector<16xf32>
      %add3A_100 = arith.addf %get3A_96, %get3A_99 : vector<16xf32>
      %swap3A = arith.index_cast %add3A_94 : i32 to index
      %swap3A_101 = tpu.vector_load %arg5[%swap3A] {strides = array<i32>} : memref<32768xf32, #tpu.memory_space<vmem>>, vector<16xf32>,
      %swap3A_102 = vector.shape_cast %swap3A_101 : vector<16xf32> to vector<16xf32>
      %swap3A_103 = vector.shape_cast %add3A_100 : vector<16xf32> to vector<16xf32>
      tpu.vector_store %arg5[%swap3A], %swap3A_103 {strides = array<i32>} : memref<32768xf32, #tpu.memory_space<vmem>>, vector<16xf32>,
      %add3A_104 = arith.constant 16 : i32
      %add3A_105 = arith.addi %mul3A_92, %add3A_104 : i32
      %get3A_106 = arith.index_cast %add3A_105 : i32 to index
      %get3A_107 = tpu.vector_load %arg5[%get3A_106] {strides = array<i32>} : memref<32768xf32, #tpu.memory_space<vmem>>, vector<16xf32>,
      %get3A_108 = vector.shape_cast %get3A_107 : vector<16xf32> to vector<16xf32>
      %get3A_109 = arith.index_cast %add3A_105 : i32 to index
      %get3A_110 = tpu.vector_load %arg6[%get3A_109] {strides = array<i32>} : memref<32768xf32, #tpu.memory_space<vmem>>, vector<16xf32>,
      %get3A_111 = vector.shape_cast %get3A_110 : vector<16xf32> to vector<16xf32>
      %add3A_112 = arith.addf %get3A_108, %get3A_111 : vector<16xf32>
      %swap3A_113 = arith.index_cast %add3A_105 : i32 to index
      %swap3A_114 = tpu.vector_load %arg5[%swap3A_113] {strides = array<i32>} : memref<32768xf32, #tpu.memory_space<vmem>>, vector<16xf32>,
      %swap3A_115 = vector.shape_cast %swap3A_114 : vector<16xf32> to vector<16xf32>
      %swap3A_116 = vector.shape_cast %add3A_112 : vector<16xf32> to vector<16xf32>
      tpu.vector_store %arg5[%swap3A_113], %swap3A_116 {strides = array<i32>} : memref<32768xf32, #tpu.memory_space<vmem>>, vector<16xf32>,
      %add3A_117 = arith.constant 32 : i32
      %add3A_118 = arith.addi %mul3A_92, %add3A_117 : i32
      %get3A_119 = arith.index_cast %add3A_118 : i32 to index
      %get3A_120 = tpu.vector_load %arg5[%get3A_119] {strides = array<i32>} : memref<32768xf32, #tpu.memory_space<vmem>>, vector<16xf32>,
      %get3A_121 = vector.shape_cast %get3A_120 : vector<16xf32> to vector<16xf32>
      %get3A_122 = arith.index_cast %add3A_118 : i32 to index
      %get3A_123 = tpu.vector_load %arg6[%get3A_122] {strides = array<i32>} : memref<32768xf32, #tpu.memory_space<vmem>>, vector<16xf32>,
      %get3A_124 = vector.shape_cast %get3A_123 : vector<16xf32> to vector<16xf32>
      %add3A_125 = arith.addf %get3A_121, %get3A_124 : vector<16xf32>
      %swap3A_126 = arith.index_cast %add3A_118 : i32 to index
      %swap3A_127 = tpu.vector_load %arg5[%swap3A_126] {strides = array<i32>} : memref<32768xf32, #tpu.memory_space<vmem>>, vector<16xf32>,
      %swap3A_128 = vector.shape_cast %swap3A_127 : vector<16xf32> to vector<16xf32>
      %swap3A_129 = vector.shape_cast %add3A_125 : vector<16xf32> to vector<16xf32>
      tpu.vector_store %arg5[%swap3A_126], %swap3A_129 {strides = array<i32>} : memref<32768xf32, #tpu.memory_space<vmem>>, vector<16xf32>,
      %add3A_130 = arith.constant 48 : i32
      %add3A_131 = arith.addi %mul3A_92, %add3A_130 : i32
      %get3A_132 = arith.index_cast %add3A_131 : i32 to index
      %get3A_133 = tpu.vector_load %arg5[%get3A_132] {strides = array<i32>} : memref<32768xf32, #tpu.memory_space<vmem>>, vector<16xf32>,
      %get3A_134 = vector.shape_cast %get3A_133 : vector<16xf32> to vector<16xf32>
      %get3A_135 = arith.index_cast %add3A_131 : i32 to index
      %get3A_136 = tpu.vector_load %arg6[%get3A_135] {strides = array<i32>} : memref<32768xf32, #tpu.memory_space<vmem>>, vector<16xf32>,
      %get3A_137 = vector.shape_cast %get3A_136 : vector<16xf32> to vector<16xf32>
      %add3A_138 = arith.addf %get3A_134, %get3A_137 : vector<16xf32>
      %swap3A_139 = arith.index_cast %add3A_131 : i32 to index
      %swap3A_140 = tpu.vector_load %arg5[%swap3A_139] {strides = array<i32>} : memref<32768xf32, #tpu.memory_space<vmem>>, vector<16xf32>,
      %swap3A_141 = vector.shape_cast %swap3A_140 : vector<16xf32> to vector<16xf32>
      %swap3A_142 = vector.shape_cast %add3A_138 : vector<16xf32> to vector<16xf32>
      tpu.vector_store %arg5[%swap3A_139], %swap3A_142 {strides = array<i32>} : memref<32768xf32, #tpu.memory_space<vmem>>, vector<16xf32>,
      %add3A_143 = arith.constant 64 : i32
      %add3A_144 = arith.addi %mul3A_92, %add3A_143 : i32
      %get3A_145 = arith.index_cast %add3A_144 : i32 to index
      %get3A_146 = tpu.vector_load %arg5[%get3A_145] {strides = array<i32>} : memref<32768xf32, #tpu.memory_space<vmem>>, vector<16xf32>,
      %get3A_147 = vector.shape_cast %get3A_146 : vector<16xf32> to vector<16xf32>
      %get3A_148 = arith.index_cast %add3A_144 : i32 to index
      %get3A_149 = tpu.vector_load %arg6[%get3A_148] {strides = array<i32>} : memref<32768xf32, #tpu.memory_space<vmem>>, vector<16xf32>,
      %get3A_150 = vector.shape_cast %get3A_149 : vector<16xf32> to vector<16xf32>
      %add3A_151 = arith.addf %get3A_147, %get3A_150 : vector<16xf32>
      %swap3A_152 = arith.index_cast %add3A_144 : i32 to index
      %swap3A_153 = tpu.vector_load %arg5[%swap3A_152] {strides = array<i32>} : memref<32768xf32, #tpu.memory_space<vmem>>, vector<16xf32>,
      %swap3A_154 = vector.shape_cast %swap3A_153 : vector<16xf32> to vector<16xf32>
      %swap3A_155 = vector.shape_cast %add3A_151 : vector<16xf32> to vector<16xf32>
      tpu.vector_store %arg5[%swap3A_152], %swap3A_155 {strides = array<i32>} : memref<32768xf32, #tpu.memory_space<vmem>>, vector<16xf32>,
      %add3A_156 = arith.constant 80 : i32
      %add3A_157 = arith.addi %mul3A_92, %add3A_156 : i32
      %get3A_158 = arith.index_cast %add3A_157 : i32 to index
      %get3A_159 = tpu.vector_load %arg5[%get3A_158] {strides = array<i32>} : memref<32768xf32, #tpu.memory_space<vmem>>, vector<16xf32>,
      %get3A_160 = vector.shape_cast %get3A_159 : vector<16xf32> to vector<16xf32>
      %get3A_161 = arith.index_cast %add3A_157 : i32 to index
      %get3A_162 = tpu.vector_load %arg6[%get3A_161] {strides = array<i32>} : memref<32768xf32, #tpu.memory_space<vmem>>, vector<16xf32>,
      %get3A_163 = vector.shape_cast %get3A_162 : vector<16xf32> to vector<16xf32>
      %add3A_164 = arith.addf %get3A_160, %get3A_163 : vector<16xf32>
      %swap3A_165 = arith.index_cast %add3A_157 : i32 to index
      %swap3A_166 = tpu.vector_load %arg5[%swap3A_165] {strides = array<i32>} : memref<32768xf32, #tpu.memory_space<vmem>>, vector<16xf32>,
      %swap3A_167 = vector.shape_cast %swap3A_166 : vector<16xf32> to vector<16xf32>
      %swap3A_168 = vector.shape_cast %add3A_164 : vector<16xf32> to vector<16xf32>
      tpu.vector_store %arg5[%swap3A_165], %swap3A_168 {strides = array<i32>} : memref<32768xf32, #tpu.memory_space<vmem>>, vector<16xf32>,
      %add3A_169 = arith.constant 96 : i32
      %add3A_170 = arith.addi %mul3A_92, %add3A_169 : i32
      %get3A_171 = arith.index_cast %add3A_170 : i32 to index
      %get3A_172 = tpu.vector_load %arg5[%get3A_171] {strides = array<i32>} : memref<32768xf32, #tpu.memory_space<vmem>>, vector<16xf32>,
      %get3A_173 = vector.shape_cast %get3A_172 : vector<16xf32> to vector<16xf32>
      %get3A_174 = arith.index_cast %add3A_170 : i32 to index
      %get3A_175 = tpu.vector_load %arg6[%get3A_174] {strides = array<i32>} : memref<32768xf32, #tpu.memory_space<vmem>>, vector<16xf32>,
      %get3A_176 = vector.shape_cast %get3A_175 : vector<16xf32> to vector<16xf32>
      %add3A_177 = arith.addf %get3A_173, %get3A_176 : vector<16xf32>
      %swap3A_178 = arith.index_cast %add3A_170 : i32 to index
      %swap3A_179 = tpu.vector_load %arg5[%swap3A_178] {strides = array<i32>} : memref<32768xf32, #tpu.memory_space<vmem>>, vector<16xf32>,
      %swap3A_180 = vector.shape_cast %swap3A_179 : vector<16xf32> to vector<16xf32>
      %swap3A_181 = vector.shape_cast %add3A_177 : vector<16xf32> to vector<16xf32>
      tpu.vector_store %arg5[%swap3A_178], %swap3A_181 {strides = array<i32>} : memref<32768xf32, #tpu.memory_space<vmem>>, vector<16xf32>,
      %add3A_182 = arith.constant 112 : i32
      %add3A_183 = arith.addi %mul3A_92, %add3A_182 : i32
      %get3A_184 = arith.index_cast %add3A_183 : i32 to index
      %get3A_185 = tpu.vector_load %arg5[%get3A_184] {strides = array<i32>} : memref<32768xf32, #tpu.memory_space<vmem>>, vector<16xf32>,
      %get3A_186 = vector.shape_cast %get3A_185 : vector<16xf32> to vector<16xf32>
      %get3A_187 = arith.index_cast %add3A_183 : i32 to index
      %get3A_188 = tpu.vector_load %arg6[%get3A_187] {strides = array<i32>} : memref<32768xf32, #tpu.memory_space<vmem>>, vector<16xf32>,
      %get3A_189 = vector.shape_cast %get3A_188 : vector<16xf32> to vector<16xf32>
      %add3A_190 = arith.addf %get3A_186, %get3A_189 : vector<16xf32>
      %swap3A_191 = arith.index_cast %add3A_183 : i32 to index
      %swap3A_192 = tpu.vector_load %arg5[%swap3A_191] {strides = array<i32>} : memref<32768xf32, #tpu.memory_space<vmem>>, vector<16xf32>,
      %swap3A_193 = vector.shape_cast %swap3A_192 : vector<16xf32> to vector<16xf32>
      %swap3A_194 = vector.shape_cast %add3A_190 : vector<16xf32> to vector<16xf32>
      tpu.vector_store %arg5[%swap3A_191], %swap3A_194 {strides = array<i32>} : memref<32768xf32, #tpu.memory_space<vmem>>, vector<16xf32>,
      %scan3A_195 = arith.constant 0 : i32
      scf.yield %scan3A_195 : i32
    }
    %scan3A_77 = arith.constant 256 : i32
    "tpu.region"() ({
      %run_scoped3A = tpu.sem_alloc : memref<!tpu.dma_semaphore, #tpu.memory_space<semaphore_mem>>
      %dma_start3A = tpu.memref_slice %arg4[%add3A_68] : memref<8388608xf32, #tpu.memory_space<hbm>> -> memref<32768xf32, #tpu.memory_space<hbm>>
      %dma_start3A_89 = tpu.memref_slice %arg4[%add3A_68] : memref<8388608xf32, #tpu.memory_space<hbm>> -> memref<32768xf32, #tpu.memory_space<hbm>>
      tpu.enqueue_dma source(%arg5 : memref<32768xf32, #tpu.memory_space<vmem>>) target(%dma_start3A_89 : memref<32768xf32, #tpu.memory_space<hbm>>) target_semaphore(%run_scoped3A : memref<!tpu.dma_semaphore, #tpu.memory_space<semaphore_mem>>)
      %dma_wait3A = tpu.memref_slice %arg4[%add3A_68] : memref<8388608xf32, #tpu.memory_space<hbm>> -> memref<32768xf32, #tpu.memory_space<hbm>>
      %dma_wait3A_90 = tpu.memref_slice %arg4[%add3A_68] : memref<8388608xf32, #tpu.memory_space<hbm>> -> memref<32768xf32, #tpu.memory_space<hbm>>
      tpu.wait_dma2 semaphore(%run_scoped3A : memref<!tpu.dma_semaphore, #tpu.memory_space<semaphore_mem>>) src(%arg5 : memref<32768xf32, #tpu.memory_space<vmem>>) dst(%dma_wait3A_90 : memref<32768xf32, #tpu.memory_space<hbm>>)
      tpu.yield
    }) : () -> ()
    %add3A_78 = arith.constant 229376 : i32
    %add3A_79 = arith.addi %mul3A_2, %add3A_78 : i32
    %rem3A_80 = arith.constant 2097152 : i32
    %rem3A_81 = arith.remsi %add3A_79, %rem3A_80 : i32
    "tpu.region"() ({
      %run_scoped3A = tpu.sem_alloc : memref<!tpu.dma_semaphore, #tpu.memory_space<semaphore_mem>>
      %dma_start3A = tpu.memref_slice %arg2[%add3A_79] : memref<8388608xf32, #tpu.memory_space<hbm>> -> memref<32768xf32, #tpu.memory_space<hbm>>
      %dma_start3A_89 = tpu.memref_slice %arg2[%add3A_79] : memref<8388608xf32, #tpu.memory_space<hbm>> -> memref<32768xf32, #tpu.memory_space<hbm>>
      tpu.enqueue_dma source(%dma_start3A_89 : memref<32768xf32, #tpu.memory_space<hbm>>) target(%arg5 : memref<32768xf32, #tpu.memory_space<vmem>>) target_semaphore(%run_scoped3A : memref<!tpu.dma_semaphore, #tpu.memory_space<semaphore_mem>>)
      %dma_wait3A = tpu.memref_slice %arg2[%add3A_79] : memref<8388608xf32, #tpu.memory_space<hbm>> -> memref<32768xf32, #tpu.memory_space<hbm>>
      %dma_wait3A_90 = tpu.memref_slice %arg2[%add3A_79] : memref<8388608xf32, #tpu.memory_space<hbm>> -> memref<32768xf32, #tpu.memory_space<hbm>>
      tpu.wait_dma2 semaphore(%run_scoped3A : memref<!tpu.dma_semaphore, #tpu.memory_space<semaphore_mem>>) src(%dma_wait3A_90 : memref<32768xf32, #tpu.memory_space<hbm>>) dst(%arg5 : memref<32768xf32, #tpu.memory_space<vmem>>)
      tpu.yield
    }) : () -> ()
    "tpu.region"() ({
      %run_scoped3A = tpu.sem_alloc : memref<!tpu.dma_semaphore, #tpu.memory_space<semaphore_mem>>
      %dma_start3A = tpu.memref_slice %arg3[%rem3A_81] : memref<2097152xf32, #tpu.memory_space<hbm>> -> memref<32768xf32, #tpu.memory_space<hbm>>
      %dma_start3A_89 = tpu.memref_slice %arg3[%rem3A_81] : memref<2097152xf32, #tpu.memory_space<hbm>> -> memref<32768xf32, #tpu.memory_space<hbm>>
      tpu.enqueue_dma source(%dma_start3A_89 : memref<32768xf32, #tpu.memory_space<hbm>>) target(%arg6 : memref<32768xf32, #tpu.memory_space<vmem>>) target_semaphore(%run_scoped3A : memref<!tpu.dma_semaphore, #tpu.memory_space<semaphore_mem>>)
      %dma_wait3A = tpu.memref_slice %arg3[%rem3A_81] : memref<2097152xf32, #tpu.memory_space<hbm>> -> memref<32768xf32, #tpu.memory_space<hbm>>
      %dma_wait3A_90 = tpu.memref_slice %arg3[%rem3A_81] : memref<2097152xf32, #tpu.memory_space<hbm>> -> memref<32768xf32, #tpu.memory_space<hbm>>
      tpu.wait_dma2 semaphore(%run_scoped3A : memref<!tpu.dma_semaphore, #tpu.memory_space<semaphore_mem>>) src(%dma_wait3A_90 : memref<32768xf32, #tpu.memory_space<hbm>>) dst(%arg6 : memref<32768xf32, #tpu.memory_space<vmem>>)
      tpu.yield
    }) : () -> ()
    %scan3A_82 = arith.constant 0 : i32
    %scan3A_83 = arith.constant 0 : i32
    %scan3A_84 = arith.constant 256 : i32
    %scan3A_85 = arith.addi %scan3A_83, %scan3A_84 : i32
    %scan3A_86 = arith.constant 1 : i32
    %scan3A_87 = scf.for %scan3A_89 = %scan3A_83 to %scan3A_85 step %scan3A_86 iter_args(%scan3A_90 = %scan3A_82) -> (i32)  : i32 {
      %mul3A_91 = arith.constant 128 : i32
      %mul3A_92 = arith.muli %scan3A_89, %mul3A_91 : i32
      %add3A_93 = arith.constant 0 : i32
      %add3A_94 = arith.addi %mul3A_92, %add3A_93 : i32
      %get3A = arith.index_cast %add3A_94 : i32 to index
      %get3A_95 = tpu.vector_load %arg5[%get3A] {strides = array<i32>} : memref<32768xf32, #tpu.memory_space<vmem>>, vector<16xf32>,
      %get3A_96 = vector.shape_cast %get3A_95 : vector<16xf32> to vector<16xf32>
      %get3A_97 = arith.index_cast %add3A_94 : i32 to index
      %get3A_98 = tpu.vector_load %arg6[%get3A_97] {strides = array<i32>} : memref<32768xf32, #tpu.memory_space<vmem>>, vector<16xf32>,
      %get3A_99 = vector.shape_cast %get3A_98 : vector<16xf32> to vector<16xf32>
      %add3A_100 = arith.addf %get3A_96, %get3A_99 : vector<16xf32>
      %swap3A = arith.index_cast %add3A_94 : i32 to index
      %swap3A_101 = tpu.vector_load %arg5[%swap3A] {strides = array<i32>} : memref<32768xf32, #tpu.memory_space<vmem>>, vector<16xf32>,
      %swap3A_102 = vector.shape_cast %swap3A_101 : vector<16xf32> to vector<16xf32>
      %swap3A_103 = vector.shape_cast %add3A_100 : vector<16xf32> to vector<16xf32>
      tpu.vector_store %arg5[%swap3A], %swap3A_103 {strides = array<i32>} : memref<32768xf32, #tpu.memory_space<vmem>>, vector<16xf32>,
      %add3A_104 = arith.constant 16 : i32
      %add3A_105 = arith.addi %mul3A_92, %add3A_104 : i32
      %get3A_106 = arith.index_cast %add3A_105 : i32 to index
      %get3A_107 = tpu.vector_load %arg5[%get3A_106] {strides = array<i32>} : memref<32768xf32, #tpu.memory_space<vmem>>, vector<16xf32>,
      %get3A_108 = vector.shape_cast %get3A_107 : vector<16xf32> to vector<16xf32>
      %get3A_109 = arith.index_cast %add3A_105 : i32 to index
      %get3A_110 = tpu.vector_load %arg6[%get3A_109] {strides = array<i32>} : memref<32768xf32, #tpu.memory_space<vmem>>, vector<16xf32>,
      %get3A_111 = vector.shape_cast %get3A_110 : vector<16xf32> to vector<16xf32>
      %add3A_112 = arith.addf %get3A_108, %get3A_111 : vector<16xf32>
      %swap3A_113 = arith.index_cast %add3A_105 : i32 to index
      %swap3A_114 = tpu.vector_load %arg5[%swap3A_113] {strides = array<i32>} : memref<32768xf32, #tpu.memory_space<vmem>>, vector<16xf32>,
      %swap3A_115 = vector.shape_cast %swap3A_114 : vector<16xf32> to vector<16xf32>
      %swap3A_116 = vector.shape_cast %add3A_112 : vector<16xf32> to vector<16xf32>
      tpu.vector_store %arg5[%swap3A_113], %swap3A_116 {strides = array<i32>} : memref<32768xf32, #tpu.memory_space<vmem>>, vector<16xf32>,
      %add3A_117 = arith.constant 32 : i32
      %add3A_118 = arith.addi %mul3A_92, %add3A_117 : i32
      %get3A_119 = arith.index_cast %add3A_118 : i32 to index
      %get3A_120 = tpu.vector_load %arg5[%get3A_119] {strides = array<i32>} : memref<32768xf32, #tpu.memory_space<vmem>>, vector<16xf32>,
      %get3A_121 = vector.shape_cast %get3A_120 : vector<16xf32> to vector<16xf32>
      %get3A_122 = arith.index_cast %add3A_118 : i32 to index
      %get3A_123 = tpu.vector_load %arg6[%get3A_122] {strides = array<i32>} : memref<32768xf32, #tpu.memory_space<vmem>>, vector<16xf32>,
      %get3A_124 = vector.shape_cast %get3A_123 : vector<16xf32> to vector<16xf32>
      %add3A_125 = arith.addf %get3A_121, %get3A_124 : vector<16xf32>
      %swap3A_126 = arith.index_cast %add3A_118 : i32 to index
      %swap3A_127 = tpu.vector_load %arg5[%swap3A_126] {strides = array<i32>} : memref<32768xf32, #tpu.memory_space<vmem>>, vector<16xf32>,
      %swap3A_128 = vector.shape_cast %swap3A_127 : vector<16xf32> to vector<16xf32>
      %swap3A_129 = vector.shape_cast %add3A_125 : vector<16xf32> to vector<16xf32>
      tpu.vector_store %arg5[%swap3A_126], %swap3A_129 {strides = array<i32>} : memref<32768xf32, #tpu.memory_space<vmem>>, vector<16xf32>,
      %add3A_130 = arith.constant 48 : i32
      %add3A_131 = arith.addi %mul3A_92, %add3A_130 : i32
      %get3A_132 = arith.index_cast %add3A_131 : i32 to index
      %get3A_133 = tpu.vector_load %arg5[%get3A_132] {strides = array<i32>} : memref<32768xf32, #tpu.memory_space<vmem>>, vector<16xf32>,
      %get3A_134 = vector.shape_cast %get3A_133 : vector<16xf32> to vector<16xf32>
      %get3A_135 = arith.index_cast %add3A_131 : i32 to index
      %get3A_136 = tpu.vector_load %arg6[%get3A_135] {strides = array<i32>} : memref<32768xf32, #tpu.memory_space<vmem>>, vector<16xf32>,
      %get3A_137 = vector.shape_cast %get3A_136 : vector<16xf32> to vector<16xf32>
      %add3A_138 = arith.addf %get3A_134, %get3A_137 : vector<16xf32>
      %swap3A_139 = arith.index_cast %add3A_131 : i32 to index
      %swap3A_140 = tpu.vector_load %arg5[%swap3A_139] {strides = array<i32>} : memref<32768xf32, #tpu.memory_space<vmem>>, vector<16xf32>,
      %swap3A_141 = vector.shape_cast %swap3A_140 : vector<16xf32> to vector<16xf32>
      %swap3A_142 = vector.shape_cast %add3A_138 : vector<16xf32> to vector<16xf32>
      tpu.vector_store %arg5[%swap3A_139], %swap3A_142 {strides = array<i32>} : memref<32768xf32, #tpu.memory_space<vmem>>, vector<16xf32>,
      %add3A_143 = arith.constant 64 : i32
      %add3A_144 = arith.addi %mul3A_92, %add3A_143 : i32
      %get3A_145 = arith.index_cast %add3A_144 : i32 to index
      %get3A_146 = tpu.vector_load %arg5[%get3A_145] {strides = array<i32>} : memref<32768xf32, #tpu.memory_space<vmem>>, vector<16xf32>,
      %get3A_147 = vector.shape_cast %get3A_146 : vector<16xf32> to vector<16xf32>
      %get3A_148 = arith.index_cast %add3A_144 : i32 to index
      %get3A_149 = tpu.vector_load %arg6[%get3A_148] {strides = array<i32>} : memref<32768xf32, #tpu.memory_space<vmem>>, vector<16xf32>,
      %get3A_150 = vector.shape_cast %get3A_149 : vector<16xf32> to vector<16xf32>
      %add3A_151 = arith.addf %get3A_147, %get3A_150 : vector<16xf32>
      %swap3A_152 = arith.index_cast %add3A_144 : i32 to index
      %swap3A_153 = tpu.vector_load %arg5[%swap3A_152] {strides = array<i32>} : memref<32768xf32, #tpu.memory_space<vmem>>, vector<16xf32>,
      %swap3A_154 = vector.shape_cast %swap3A_153 : vector<16xf32> to vector<16xf32>
      %swap3A_155 = vector.shape_cast %add3A_151 : vector<16xf32> to vector<16xf32>
      tpu.vector_store %arg5[%swap3A_152], %swap3A_155 {strides = array<i32>} : memref<32768xf32, #tpu.memory_space<vmem>>, vector<16xf32>,
      %add3A_156 = arith.constant 80 : i32
      %add3A_157 = arith.addi %mul3A_92, %add3A_156 : i32
      %get3A_158 = arith.index_cast %add3A_157 : i32 to index
      %get3A_159 = tpu.vector_load %arg5[%get3A_158] {strides = array<i32>} : memref<32768xf32, #tpu.memory_space<vmem>>, vector<16xf32>,
      %get3A_160 = vector.shape_cast %get3A_159 : vector<16xf32> to vector<16xf32>
      %get3A_161 = arith.index_cast %add3A_157 : i32 to index
      %get3A_162 = tpu.vector_load %arg6[%get3A_161] {strides = array<i32>} : memref<32768xf32, #tpu.memory_space<vmem>>, vector<16xf32>,
      %get3A_163 = vector.shape_cast %get3A_162 : vector<16xf32> to vector<16xf32>
      %add3A_164 = arith.addf %get3A_160, %get3A_163 : vector<16xf32>
      %swap3A_165 = arith.index_cast %add3A_157 : i32 to index
      %swap3A_166 = tpu.vector_load %arg5[%swap3A_165] {strides = array<i32>} : memref<32768xf32, #tpu.memory_space<vmem>>, vector<16xf32>,
      %swap3A_167 = vector.shape_cast %swap3A_166 : vector<16xf32> to vector<16xf32>
      %swap3A_168 = vector.shape_cast %add3A_164 : vector<16xf32> to vector<16xf32>
      tpu.vector_store %arg5[%swap3A_165], %swap3A_168 {strides = array<i32>} : memref<32768xf32, #tpu.memory_space<vmem>>, vector<16xf32>,
      %add3A_169 = arith.constant 96 : i32
      %add3A_170 = arith.addi %mul3A_92, %add3A_169 : i32
      %get3A_171 = arith.index_cast %add3A_170 : i32 to index
      %get3A_172 = tpu.vector_load %arg5[%get3A_171] {strides = array<i32>} : memref<32768xf32, #tpu.memory_space<vmem>>, vector<16xf32>,
      %get3A_173 = vector.shape_cast %get3A_172 : vector<16xf32> to vector<16xf32>
      %get3A_174 = arith.index_cast %add3A_170 : i32 to index
      %get3A_175 = tpu.vector_load %arg6[%get3A_174] {strides = array<i32>} : memref<32768xf32, #tpu.memory_space<vmem>>, vector<16xf32>,
      %get3A_176 = vector.shape_cast %get3A_175 : vector<16xf32> to vector<16xf32>
      %add3A_177 = arith.addf %get3A_173, %get3A_176 : vector<16xf32>
      %swap3A_178 = arith.index_cast %add3A_170 : i32 to index
      %swap3A_179 = tpu.vector_load %arg5[%swap3A_178] {strides = array<i32>} : memref<32768xf32, #tpu.memory_space<vmem>>, vector<16xf32>,
      %swap3A_180 = vector.shape_cast %swap3A_179 : vector<16xf32> to vector<16xf32>
      %swap3A_181 = vector.shape_cast %add3A_177 : vector<16xf32> to vector<16xf32>
      tpu.vector_store %arg5[%swap3A_178], %swap3A_181 {strides = array<i32>} : memref<32768xf32, #tpu.memory_space<vmem>>, vector<16xf32>,
      %add3A_182 = arith.constant 112 : i32
      %add3A_183 = arith.addi %mul3A_92, %add3A_182 : i32
      %get3A_184 = arith.index_cast %add3A_183 : i32 to index
      %get3A_185 = tpu.vector_load %arg5[%get3A_184] {strides = array<i32>} : memref<32768xf32, #tpu.memory_space<vmem>>, vector<16xf32>,
      %get3A_186 = vector.shape_cast %get3A_185 : vector<16xf32> to vector<16xf32>
      %get3A_187 = arith.index_cast %add3A_183 : i32 to index
      %get3A_188 = tpu.vector_load %arg6[%get3A_187] {strides = array<i32>} : memref<32768xf32, #tpu.memory_space<vmem>>, vector<16xf32>,
      %get3A_189 = vector.shape_cast %get3A_188 : vector<16xf32> to vector<16xf32>
      %add3A_190 = arith.addf %get3A_186, %get3A_189 : vector<16xf32>
      %swap3A_191 = arith.index_cast %add3A_183 : i32 to index
      %swap3A_192 = tpu.vector_load %arg5[%swap3A_191] {strides = array<i32>} : memref<32768xf32, #tpu.memory_space<vmem>>, vector<16xf32>,
      %swap3A_193 = vector.shape_cast %swap3A_192 : vector<16xf32> to vector<16xf32>
      %swap3A_194 = vector.shape_cast %add3A_190 : vector<16xf32> to vector<16xf32>
      tpu.vector_store %arg5[%swap3A_191], %swap3A_194 {strides = array<i32>} : memref<32768xf32, #tpu.memory_space<vmem>>, vector<16xf32>,
      %scan3A_195 = arith.constant 0 : i32
      scf.yield %scan3A_195 : i32
    }
    %scan3A_88 = arith.constant 256 : i32
    "tpu.region"() ({
      %run_scoped3A = tpu.sem_alloc : memref<!tpu.dma_semaphore, #tpu.memory_space<semaphore_mem>>
      %dma_start3A = tpu.memref_slice %arg4[%add3A_79] : memref<8388608xf32, #tpu.memory_space<hbm>> -> memref<32768xf32, #tpu.memory_space<hbm>>
      %dma_start3A_89 = tpu.memref_slice %arg4[%add3A_79] : memref<8388608xf32, #tpu.memory_space<hbm>> -> memref<32768xf32, #tpu.memory_space<hbm>>
      tpu.enqueue_dma source(%arg5 : memref<32768xf32, #tpu.memory_space<vmem>>) target(%dma_start3A_89 : memref<32768xf32, #tpu.memory_space<hbm>>) target_semaphore(%run_scoped3A : memref<!tpu.dma_semaphore, #tpu.memory_space<semaphore_mem>>)
      %dma_wait3A = tpu.memref_slice %arg4[%add3A_79] : memref<8388608xf32, #tpu.memory_space<hbm>> -> memref<32768xf32, #tpu.memory_space<hbm>>
      %dma_wait3A_90 = tpu.memref_slice %arg4[%add3A_79] : memref<8388608xf32, #tpu.memory_space<hbm>> -> memref<32768xf32, #tpu.memory_space<hbm>>
      tpu.wait_dma2 semaphore(%run_scoped3A : memref<!tpu.dma_semaphore, #tpu.memory_space<semaphore_mem>>) src(%arg5 : memref<32768xf32, #tpu.memory_space<vmem>>) dst(%dma_wait3A_90 : memref<32768xf32, #tpu.memory_space<hbm>>)
      tpu.yield
    }) : () -> ()
    return
  }
}

</mosaic_0001>

<sc_bundles>
// kernel: kernel.3.cloned.1.call-start
scs
__scs_entry_jumppad:
0x0: {  	(pc) =	sbr.rel $0x88, $3  }
0x1: {  	(tag) =	ssettag $0x0;
	lr =	simm.s32 $0x1  }
0x2: {  	[smem:$0x3F9F] =	sst lr;
	_ =	strace $0xD0000000  }
0x3: {  	_ = 	snop  }
0x4: {  	_ = 	snop  }
0x5: {  	_ = 	snop  }
0x6: {  	_ = 	snop  }
0x7: {  	_ = 	snop  }
__scs_overlays_trampoline_lowered:
0x8: {  	[smem:$0x3FAE] =	sst s0  }
0x9: {  	[smem:$0x3FAF] =	sst s1  }
0xa: {  	[smem:$0x3FB0] =	sst s2  }
0xb: {  	[smem:$0x3FB1] =	sst s3  }
0xc: {  	[smem:$0x3FB2] =	sst s4  }
0xd: {  	[smem:$0x3FB3] =	sst s5  }
0xe: {  	[smem:$0x3FB4] =	sst s6  }
0xf: {  	[smem:$0x3FB5] =	sst s7  }
0x10: {  	[smem:$0x3FB6] =	sst s8  }
0x11: {  	[smem:$0x3FB7] =	sst s9;
	s0 =	simm.s32 @!p0 $0x0  }
0x12: {  	s1 =	sld [smem:$0x3F9D];
	s0 =	simm.s32 @p0 $0x1  }
0x13: {  	[smem:$0x3FB8] =	sst s0;
	s0 =	simm.s32 @!p1 $0x0  }
0x14: {  	s2 =	sld [smem:$0x3F9C];
	s0 =	simm.s32 @p1 $0x1  }
0x15: {  	[smem:$0x3FB9] =	sst s0;
	s0 =	simm.s32 @!p2 $0x0  }
0x16: {  	s3 =	sld [smem:$0x3FDB];
	s0 =	simm.s32 @p2 $0x1  }
0x17: {  	s4 =	simm.s32 $0x1BF5;
	[smem:$0x3FBB] =	sst s0  }
0x18: {  	s0 =	sld [smem:$0x3F9E];
	_ =	swait.ge [sflag:s4], $0x0  }
0x19: {  	s7 =	sld [smem:$0x3F9F]  }
0x1a: {  	s8 =	sadd.s32 $0xFFFFE003, lr  }
0x1b: {  	s9 =	sadd.s32 $0xFFFFFEF7, lr;
	s5 =	simm.s32 $0xFFFFFFFF;
	p2 =	slt.u32 s8, $0xFFFFF086  }
0x1c: {  	p1 =	slt.u32 s9, $0xF7A;
	s5 =	simm.s32 @!p2 $0x0  }
0x1d: {  	s5 =	simm.s32 @p1 $0x1;
	p0 =	seq.s32 s7, s2  }
0x1e: {  	s7 =	smul.u32 @!p0 $0xF7A, s2;
	p2 =	seq.s32 @!p0 s5, $0x0  }
0x1f: {  	s9 =	smul.u32 $0xF7A, s1;
	s8 =	simm.s32 @!p0 $0x1BF5;
	p2 =	por !p2, p0  }
0x20: {  	[sflag:s8] =	ssyncset.s32 @!p0 $0xFFFFF086;
	s6 =	sadd.s32 @!p0 s3, s7;
	s7 =	simm.s32 @!p0 $0x108  }
0x21: {  	s3 =	sadd.s32 s3, s9;
	s6 =	sadd.s32 @!p0 $0x88, s6;
	s7 =	simm.s32 @p2 $0x1082  }
0x22: {  	[simem:s7], [sflag:s8] =	dma.local @!p0 [hbm:s6], $0xF7A  }
0x23: {  	s9 =	sor.u32 $0xD0000000, s2;
	s6 =	simm.s32 $0x108;
	_ =	swait.ge @!p0 [sflag:s8], $0x0  }
0x24: {  	s3 =	sadd.s32 $0x88, s3;
	s6 =	simm.s32 @!p1 $0x1082;
	[sflag:s4] =	ssyncset.s32 $0xFFFFF086  }
0x25: {  	[simem:s6], [sflag:s4] =	dma.local [hbm:s3], $0xF7A  }
0x26: {  	[smem:$0x3F9F] =	sst s1;
	(tag) =	ssettag s2;
	_ =	strace s9  }
0x27: {  	s1 =	sld [smem:$0x3FAF]  }
0x28: {  	s2 =	sld [smem:$0x3FB0]  }
0x29: {  	s4 =	sld [smem:$0x3FB2]  }
0x2a: {  	p0 =	seq.s32 s5, $0x0;
	s5 =	sld [smem:$0x3FB3]  }
0x2b: {  	s6 =	sld [smem:$0x3FB4]  }
0x2c: {  	s7 =	sld [smem:$0x3FB5]  }
0x2d: {  	s3 =	simm.s32 $0x108;
	s8 =	sld [smem:$0x3FB6]  }
0x2e: {  	s3 =	simm.s32 @!p0 $0x1082;
	s9 =	sld [smem:$0x3FB7]  }
0x2f: {  	lr =	sadd.s32 s0, s3;
	s0 =	sld [smem:$0x3FAE]  }
0x30: {  	s3 =	sld [smem:$0x3FB1]  }
0x31: {  	[smem:$0x3FBA] =	sst s10  }
0x32: {  	s10 =	sld [smem:$0x3FB8];
	_ =	sdelay $0x3  }
0x33: {  	p0 =	seq.s32 s10, $0x1;
	s10 =	sld [smem:$0x3FBA];
	_ =	sdelay $0x3  }
0x34: {  	[smem:$0x3FBA] =	sst s10  }
0x35: {  	s10 =	sld [smem:$0x3FB9];
	_ =	sdelay $0x3  }
0x36: {  	p1 =	seq.s32 s10, $0x1;
	s10 =	sld [smem:$0x3FBA];
	_ =	sdelay $0x3  }
0x37: {  	[smem:$0x3FBA] =	sst s10  }
0x38: {  	s10 =	sld [smem:$0x3FBB]  }
0x39: {  	_ = 	snop;
	(pc) =	sbr.ind lr, $3  }
0x3a: {  	_ = 	snop  }
0x3b: {  	_ = 	snop  }
0x3c: {  	p2 =	seq.s32 s10, $0x1;
	s10 =	sld [smem:$0x3FBA]  }
0x3d: {  	_ =	shalt  }
0x3e: {  	_ =	shalt  }
0x3f: {  	_ =	shalt  }
0x40: {  	_ =	shalt  }
0x41: {  	_ =	shalt  }
0x42: {  	_ =	shalt  }
0x43: {  	_ =	shalt  }
0x44: {  	_ =	shalt  }
0x45: {  	_ =	shalt  }
0x46: {  	_ =	shalt  }
0x47: {  	_ =	shalt  }
0x48: {  	_ =	shalt  }
0x49: {  	_ =	shalt  }
0x4a: {  	_ =	shalt  }
0x4b: {  	_ =	shalt  }
0x4c: {  	_ =	shalt  }
0x4d: {  	_ =	shalt  }
0x4e: {  	_ =	shalt  }
0x4f: {  	_ =	shalt  }
0x50: {  	_ =	shalt  }
0x51: {  	_ =	shalt  }
0x52: {  	_ =	shalt  }
0x53: {  	_ =	shalt  }
0x54: {  	_ =	shalt  }
0x55: {  	_ =	shalt  }
0x56: {  	_ =	shalt  }
0x57: {  	_ =	shalt  }
0x58: {  	_ =	shalt  }
0x59: {  	_ =	shalt  }
0x5a: {  	_ =	shalt  }
0x5b: {  	_ =	shalt  }
0x5c: {  	_ =	shalt  }
0x5d: {  	_ =	shalt  }
0x5e: {  	_ =	shalt  }
0x5f: {  	_ =	shalt  }
0x60: {  	_ =	shalt  }
0x61: {  	_ =	shalt  }
0x62: {  	_ =	shalt  }
0x63: {  	_ =	shalt  }
0x64: {  	_ =	shalt  }
0x65: {  	_ =	shalt  }
0x66: {  	_ =	shalt  }
0x67: {  	_ =	shalt  }
0x68: {  	_ =	shalt  }
0x69: {  	_ =	shalt  }
0x6a: {  	_ =	shalt  }
0x6b: {  	_ =	shalt  }
0x6c: {  	_ =	shalt  }
0x6d: {  	_ =	shalt  }
0x6e: {  	_ =	shalt  }
0x6f: {  	_ =	shalt  }
0x70: {  	_ =	shalt  }
0x71: {  	_ =	shalt  }
0x72: {  	_ =	shalt  }
0x73: {  	_ =	shalt  }
0x74: {  	_ =	shalt  }
0x75: {  	_ =	shalt  }
0x76: {  	_ =	shalt  }
0x77: {  	_ =	shalt  }
0x78: {  	_ =	shalt  }
0x79: {  	_ =	shalt  }
0x7a: {  	_ =	shalt  }
0x7b: {  	_ =	shalt  }
0x7c: {  	_ =	shalt  }
0x7d: {  	_ =	shalt  }
0x7e: {  	_ =	shalt  }
0x7f: {  	_ =	shalt  }
0x80: {  	_ =	shalt  }
0x81: {  	_ =	shalt  }
0x82: {  	_ =	shalt  }
0x83: {  	_ =	shalt  }
0x84: {  	_ =	shalt  }
0x85: {  	_ =	shalt  }
0x86: {  	_ =	shalt  }
0x87: {  	_ =	shalt  }
.Lfunc_end0:
.L_simem_size_0:
called_computation.1_lowered:
.L_overlay_start_0:
0x88: {  	s2 =	sld [smem:$0x3FD9]  }
0x89: {  	s3 =	sld [smem:$0x3FFE];
	_ =	sdelay $0x1  }
0x8a: {  	s1 =	srdreg.scid  }
0x8b: {  	s0 =	sand.u32 $0x1, s1  }
0x8c: {  	s17 =	sshll.u32 s0, $0xA;
	s2 =	sadd.s32 s3, s2  }
0x8d: {  	s2 =	sadd.s32 s2, s17  }
0x8e: {  	[smem:$0x3FC6] =	sst s2  }
0x8f: {  	_ = 	snop  }
0x90: {  	s2 =	sld [smem:$0x3FD0];
	(tm) =	ssettm $0x1  }
0x91: {  	s18 =	sld [smem:$0x3FFB];
	_ =	sdelay $0x3  }
0x92: {  	_ =	strace s18  }
0x93: {  	s3 =	sld [smem:$0x3FFC];
	_ =	sdelay $0x3  }
0x94: {  	_ =	strace s3  }
0x95: {  	s3 =	sld [smem:$0x3FFD];
	_ =	sdelay $0x3  }
0x96: {  	_ =	strace s3  }
0x97: {  	_ =	strace $0x8FFFFFFF  }
0x98: {  	s19 =	sld [smem:$0x3FDB];
	_ =	sdelay $0x1  }
0x99: {  	s4 =	simm.s32 $_scs_section_size  }
0x9a: {  	s5 =	simm.s32 $_size__tile_overlayer_lowered;
	s6 =	simm.s32 $_tile_overlayer_lowered  }
0x9b: {  	s22 =	simm.s32 $0x1BFF;
	s21 =	sshll.u32 s6, $0x1;
	s3 =	sadd.s32 s4, s19  }
0x9c: {  	s7 =	simm.s32 $0x0;
	s20 =	sshll.u32 s5, $0x1;
	s5 =	sadd.s32 s21, s3  }
0x9d: {  	[timem:s7], [sflag:s22] =	dma.local [hbm:s5], s20  }
0x9e: {  	_ =	swait.ge [sflag:s22], s20  }
0x9f: {  	s4 =	ssub.s32 $0x0, s20;
	[sflag:s22] =	ssyncset.done $0x0  }
0xa0: {  	[sflag:s22] =	ssyncadd.s32 s4;
	_ =	sdelay $0x1  }
0xa1: {  	s23 =	simm.s32 $0x1B8B  }
0xa2: {  	_ =	swait.ge [sflag:s23], $0x1  }
0xa3: {  	[sflag:s23] =	ssyncset.done $0x0  }
0xa4: {  	s25 =	simm.s32 $0x1B8E;
	s24 =	sld [smem:$0x3FFE];
	[sflag:s23] =	ssyncadd.s32 $0xFFFFFFFF  }
0xa5: {  	s26 =	simm.s32 $execute0_lowered;
	[smem:$0x3FD2] =	sst s25  }
0xa6: {  	s5 =	sshll.u32 s26, $0x1;
	_ =	strace $0x80000049;
	[dreg:$0x1] =	wrdreg $0xFFFFFFFF  }
0xa7: {  	s28 =	simm.s32 $_size_execute0_lowered;
	s3 =	sadd.s32 s3, s5;
	[dreg:$0x0] =	wrdreg $0x0  }
0xa8: {  	s5 =	sshll.u32 s28, $0x1;
	[dreg:$0x2] =	wrdreg s3  }
0xa9: {  	[dreg:$0x3] =	wrdreg s5  }
0xaa: {  	[dreg:$0x4] =	wrdreg $0xC0  }
0xab: {  	_ =	task [dreg:s7], $0x5FFFF  }
0xac: {  	[dreg:$0x1] =	wrdreg $0xFFFFFFFF  }
0xad: {  	[dreg:$0x0] =	wrdreg $0x60  }
0xae: {  	[dreg:$0x2] =	wrdreg s2  }
0xaf: {  	[dreg:$0x3] =	wrdreg s24  }
0xb0: {  	[dreg:$0x4] =	wrdreg $0x9  }
0xb1: {  	_ =	task.clear_ibuf [dreg:s7], $0x5FFFF;
	_ =	strace $0x90000049  }
0xb2: {  	s29 =	simm.s32 $0x9;
	_ =	strace $0x8000004B  }
0xb3: {  	_ =	swait.ge [sflag:s29], $0x1  }
0xb4: {  	[sflag:s29] =	ssyncadd.s32 $0xFFFFFFFF  }
0xb5: {  	_ =	strace $0x9000004B  }
0xb6: {  	_ =	sfence  }
0xb7: {  	s30 =	sld [smem:$0x0];
	_ =	sdelay $0x2  }
0xb8: {  	s31 =	sshll.u32 s1, $0xD;
	s1 =	sshrl.u32 s1, $0x2  }
0xb9: {  	s3 =	sand.u32 $0x4000, s31;
	s1 =	sadd.s32 s1, s30  }
0xba: {  	s0 =	sor.u32 s3, s0;
	s1 =	sshll.u32 s1, $0x11  }
0xbb: {  	s0 =	sor.u32 s1, s0  }
0xbc: {  	s0 =	sadd.s32 $0x8F2B, s0  }
0xbd: {  	[sflag:s0] =	ssyncadd.remote.s32 $0x1  }
0xbe: {  	_ =	sfence.sel $0xFFFF  }
0xbf: {  	[dreg:$0x0] =	wrdreg $0xFFFFFFFF;
	(pc) =	sbr.abs _section_cstart, $3  }
0xc0: {  	[dreg:$0x1] =	wrdreg $0xFFFFFFFF  }
0xc1: {  	_ =	task.clear_ibuf [dreg:s7], $0x2FFFF;
	_ =	strace $0x9FFFFFFF  }
0xc2: {  	(tm) =	ssettm $0x7FFFFFFF  }
0xc3: {  	_ =	shalt  }
tec
execute0_lowered:
.L_overlay_start_1:
0x0: {  	(tag) =	ssettag $0x1  }
0x1: {  	s1 =	rddreg [dreg:$0x0]  }
0x2: {  	s2 =	rddreg [dreg:$0x1];
	s0 =	simm.s32 $0x0  }
0x3: {  	s3 =	srdreg.scid;
	s6 =	stileid.u32;
	s29 =	simm.s32 $0x1  }
0x4: {  	s30 =	simm.s32 $0x8000;
	s31 =	simm.s32 $0x0;
	s3 =	sand.u32 $0x1, s3  }
0x5: {  	[smem:$0x7FF] =	sst s0;
	s17 =	sadd.s32 $0xA00, s2;
	s4 =	ssub.s32 $0x2, s3  }
0x6: {  	s6 =	sshll.u32 s6, $0x10;
	s3 =	sshll.u32 s3, $0xF;
	s5 =	sshrl.u32 s4, $0x1  }
0x7: {  	s19 =	sadd.s32 $0x40A00, s2;
	s15 =	sor.u32 s3, s6;
	s28 =	ssub.s32 s4, s5  }
0x8: {  	s23 =	sadd.s32 s1, s15;
	s3 =	sand.u32 $0x38000, s15;
	s7 =	sor.u32 $0x1000, s15  }
0x9: {  	s4 =	sadd.s32 s19, s15;
	s10 =	sor.u32 $0x2000, s15;
	s13 =	sor.u32 $0x3000, s15  }
0xa: {  	s20 =	sor.u32 $0x4000, s15;
	s22 =	sor.u32 $0x5000, s15;
	s26 =	sor.u32 $0x7000, s15  }
0xb: {  	[dreg:$0x3] =	wrdreg s23;
	s3 =	sadd.s32 s17, s3;
	s24 =	sand.u32 $0x39000, s7  }
0xc: {  	s5 =	sadd.s32 s1, s7;
	s7 =	sadd.s32 s19, s7;
	s8 =	sadd.s32 s1, s10  }
0xd: {  	s9 =	sand.u32 $0x3A000, s10;
	s10 =	sadd.s32 s19, s10;
	s11 =	sadd.s32 s1, s13  }
0xe: {  	s12 =	sand.u32 $0x3B000, s13;
	s13 =	sadd.s32 s19, s13;
	s14 =	sand.u32 $0x3C000, s20  }
0xf: {  	s16 =	sand.u32 $0x3D000, s22;
	s25 =	sand.u32 $0x3F000, s26;
	s21 =	sadd.s32 s1, s22  }
0x10: {  	s22 =	sadd.s32 s19, s22;
	s28 =	smax.u32 s28, $0x1;
	s6 =	sadd.s32 s17, s24  }
0x11: {  	s9 =	sadd.s32 s17, s9;
	s12 =	sadd.s32 s17, s12;
	s14 =	sadd.s32 s17, s14  }
0x12: {  	s24 =	sor.u32 $0x6000, s15;
	s15 =	sadd.s32 s17, s16;
	_ =	strace $0x8000004A  }
0x13: {  	s18 =	sand.u32 $0x3E000, s24;
	s23 =	sadd.s32 s1, s24;
	s24 =	sadd.s32 s19, s24  }
0x14: {  	s16 =	sadd.s32 s17, s18;
	s17 =	sadd.s32 s17, s25;
	s18 =	sadd.s32 s1, s20  }
0x15: {  	s20 =	sadd.s32 s19, s20;
	s25 =	sadd.s32 s1, s26;
	s26 =	sadd.s32 s19, s26  }
.LBB2_1:
0x16: {  	s1 =	rddreg [dreg:$0x3]  }
0x17: {  	[tilespmem:s0], [sflag:$0x1] =	stream.linear.gather [hbm4b:s1+s0], $0x8000, $0x38;
	[tilespmem:$0x10000] =	vst v63  }
0x18: {  	_ =	swait.ge [sflag:s29], $0x8000  }
0x19: {  	[sflag:s29] =	ssyncset.done $0x0  }
0x1a: {  	[sflag:s29] =	ssyncadd.s32 $0xFFFF8000  }
0x1b: {  	[tilespmem:s30], [sflag:$0x1] =	stream.linear.gather [hbm4b:s3+s0], $0x8000, $0x38;
	[tilespmem:$0x10000] =	vst v63  }
0x1c: {  	_ =	swait.ge [sflag:s29], $0x8000  }
0x1d: {  	[sflag:s29] =	ssyncset.done $0x0  }
0x1e: {  	s19 =	simm.s32 $0x0;
	[sflag:s29] =	ssyncadd.s32 $0xFFFF8000  }
0x1f: {  	v7 =	vld [tilespmem:s19+$0x8000]  }
0x20: {  	v11 =	vld [tilespmem:s19+$0x8010]  }
0x21: {  	v5 =	vld [tilespmem:s19+$0x8020]  }
0x22: {  	v4 =	vld [tilespmem:s19+$0x8030]  }
0x23: {  	v3 =	vld [tilespmem:s19+$0x8040]  }
0x24: {  	v2 =	vld [tilespmem:s19+$0x8050]  }
0x25: {  	v1 =	vld [tilespmem:s19+$0x8060]  }
0x26: {  	v0 =	vld [tilespmem:s19+$0x8070]  }
0x27: {  	v12 =	vld [tilespmem:s19+$0x0]  }
0x28: {  	v13 =	vld [tilespmem:s19+$0x10]  }
0x29: {  	v10 =	vld [tilespmem:s19+$0x20]  }
0x2a: {  	v9 =	vld [tilespmem:s19+$0x30]  }
0x2b: {  	v8 =	vld [tilespmem:s19+$0x40]  }
0x2c: {  	v6 =	vld [tilespmem:s19+$0x50];
	v12 =	vadd.f32 v7, v12  }
0x2d: {  	s1 =	simm.s32 $0x200;
	v11 =	vadd.f32 v11, v13;
	v7 =	vld [tilespmem:s19+$0x60]  }
.LBB2_2:
0x2e: {  	s2 =	sshra.s32 s1, $0x2;
	p0 =	sne.s32 s1, $0x1FE00;
	[tilespmem:s19+$0x0] =	vst v12;
	v5 =	vadd.f32 v5, v10;
	v10 =	vld [tilespmem:s19+$0x70]  }
0x2f: {  	v12 =	vld [tilespmem:s2+$0x8000];
	[tilespmem:s19+$0x10] =	vst v11;
	v4 =	vadd.f32 v4, v9  }
0x30: {  	v11 =	vld [tilespmem:s2+$0x8010];
	[tilespmem:s19+$0x20] =	vst v5;
	v3 =	vadd.f32 v3, v8  }
0x31: {  	v5 =	vld [tilespmem:s2+$0x8020];
	[tilespmem:s19+$0x30] =	vst v4;
	v2 =	vadd.f32 v2, v6  }
0x32: {  	v4 =	vld [tilespmem:s2+$0x8030];
	[tilespmem:s19+$0x40] =	vst v3;
	v1 =	vadd.f32 v1, v7  }
0x33: {  	v3 =	vld [tilespmem:s2+$0x8040];
	[tilespmem:s19+$0x50] =	vst v2;
	v0 =	vadd.f32 v0, v10  }
0x34: {  	v2 =	vld [tilespmem:s2+$0x8050];
	[tilespmem:s19+$0x60] =	vst v1  }
0x35: {  	v1 =	vld [tilespmem:s2+$0x8060];
	[tilespmem:s19+$0x70] =	vst v0;
	s19 =	smov.u32 s2  }
0x36: {  	v0 =	vld [tilespmem:s19+$0x8070]  }
0x37: {  	v6 =	vld [tilespmem:s19+$0x0]  }
0x38: {  	v7 =	vld [tilespmem:s19+$0x10]  }
.Ltmp0:
0x39: {  	v10 =	vld [tilespmem:s19+$0x20];
	(pc) =	sbr.rel @p0 .LBB2_2-.Ltmp0, $4  }
0x3a: {  	v9 =	vld [tilespmem:s19+$0x30]  }
0x3b: {  	v8 =	vld [tilespmem:s19+$0x40]  }
0x3c: {  	v12 =	vadd.f32 v12, v6;
	v6 =	vld [tilespmem:s19+$0x50]  }
0x3d: {  	s1 =	sadd.s32 $0x200, s1;
	v11 =	vadd.f32 v11, v7;
	v7 =	vld [tilespmem:s19+$0x60]  }
0x3e: {  	[tilespmem:s19+$0x0] =	vst v12;
	v5 =	vadd.f32 v5, v10;
	v10 =	vld [tilespmem:s19+$0x70]  }
0x3f: {  	[tilespmem:s19+$0x10] =	vst v11;
	v4 =	vadd.f32 v4, v9  }
0x40: {  	[tilespmem:s19+$0x20] =	vst v5;
	v3 =	vadd.f32 v3, v8  }
0x41: {  	[tilespmem:s19+$0x30] =	vst v4;
	v2 =	vadd.f32 v2, v6  }
0x42: {  	[tilespmem:s19+$0x40] =	vst v3;
	v1 =	vadd.f32 v1, v7  }
0x43: {  	[tilespmem:s19+$0x50] =	vst v2;
	v0 =	vadd.f32 v0, v10  }
0x44: {  	[tilespmem:s19+$0x60] =	vst v1  }
0x45: {  	s1 =	simm.s32 $0x0;
	[tilespmem:s19+$0x70] =	vst v0  }
0x46: {  	[hbm4b:s4+s1] =	stream.linear.scatter [tilespmem:s1], [sflag:$0x1], $0x8000, $0x38;
	[tilespmem:$0x10000] =	vst v63  }
0x47: {  	_ =	swait.ge [sflag:s29], $0x8000  }
0x48: {  	[sflag:s29] =	ssyncset.done $0x0  }
0x49: {  	[sflag:s29] =	ssyncadd.s32 $0xFFFF8000  }
0x4a: {  	[tilespmem:s1], [sflag:$0x1] =	stream.linear.gather [hbm4b:s5+s1], $0x8000, $0x38;
	[tilespmem:$0x10000] =	vst v63  }
0x4b: {  	_ =	swait.ge [sflag:s29], $0x8000  }
0x4c: {  	[sflag:s29] =	ssyncset.done $0x0  }
0x4d: {  	[sflag:s29] =	ssyncadd.s32 $0xFFFF8000  }
0x4e: {  	[tilespmem:s30], [sflag:$0x1] =	stream.linear.gather [hbm4b:s6+s1], $0x8000, $0x38;
	[tilespmem:$0x10000] =	vst v63  }
0x4f: {  	_ =	swait.ge [sflag:s29], $0x8000  }
0x50: {  	[sflag:s29] =	ssyncset.done $0x0  }
0x51: {  	s19 =	simm.s32 $0x0;
	[sflag:s29] =	ssyncadd.s32 $0xFFFF8000  }
0x52: {  	v7 =	vld [tilespmem:s19+$0x8000]  }
0x53: {  	v11 =	vld [tilespmem:s19+$0x8010]  }
0x54: {  	v5 =	vld [tilespmem:s19+$0x8020]  }
0x55: {  	v4 =	vld [tilespmem:s19+$0x8030]  }
0x56: {  	v3 =	vld [tilespmem:s19+$0x8040]  }
0x57: {  	v2 =	vld [tilespmem:s19+$0x8050]  }
0x58: {  	v1 =	vld [tilespmem:s19+$0x8060]  }
0x59: {  	v0 =	vld [tilespmem:s19+$0x8070]  }
0x5a: {  	v12 =	vld [tilespmem:s19+$0x0]  }
0x5b: {  	v13 =	vld [tilespmem:s19+$0x10]  }
0x5c: {  	v10 =	vld [tilespmem:s19+$0x20]  }
0x5d: {  	v9 =	vld [tilespmem:s19+$0x30]  }
0x5e: {  	v8 =	vld [tilespmem:s19+$0x40]  }
0x5f: {  	v6 =	vld [tilespmem:s19+$0x50];
	v12 =	vadd.f32 v7, v12  }
0x60: {  	s1 =	simm.s32 $0x200;
	v11 =	vadd.f32 v11, v13;
	v7 =	vld [tilespmem:s19+$0x60]  }
.LBB2_4:
0x61: {  	s2 =	sshra.s32 s1, $0x2;
	p0 =	sne.s32 s1, $0x1FE00;
	[tilespmem:s19+$0x0] =	vst v12;
	v5 =	vadd.f32 v5, v10;
	v10 =	vld [tilespmem:s19+$0x70]  }
0x62: {  	v12 =	vld [tilespmem:s2+$0x8000];
	[tilespmem:s19+$0x10] =	vst v11;
	v4 =	vadd.f32 v4, v9  }
0x63: {  	v11 =	vld [tilespmem:s2+$0x8010];
	[tilespmem:s19+$0x20] =	vst v5;
	v3 =	vadd.f32 v3, v8  }
0x64: {  	v5 =	vld [tilespmem:s2+$0x8020];
	[tilespmem:s19+$0x30] =	vst v4;
	v2 =	vadd.f32 v2, v6  }
0x65: {  	v4 =	vld [tilespmem:s2+$0x8030];
	[tilespmem:s19+$0x40] =	vst v3;
	v1 =	vadd.f32 v1, v7  }
0x66: {  	v3 =	vld [tilespmem:s2+$0x8040];
	[tilespmem:s19+$0x50] =	vst v2;
	v0 =	vadd.f32 v0, v10  }
0x67: {  	v2 =	vld [tilespmem:s2+$0x8050];
	[tilespmem:s19+$0x60] =	vst v1  }
0x68: {  	v1 =	vld [tilespmem:s2+$0x8060];
	[tilespmem:s19+$0x70] =	vst v0;
	s19 =	smov.u32 s2  }
0x69: {  	v0 =	vld [tilespmem:s19+$0x8070]  }
0x6a: {  	v6 =	vld [tilespmem:s19+$0x0]  }
0x6b: {  	v7 =	vld [tilespmem:s19+$0x10]  }
.Ltmp1:
0x6c: {  	v10 =	vld [tilespmem:s19+$0x20];
	(pc) =	sbr.rel @p0 .LBB2_4-.Ltmp1, $4  }
0x6d: {  	v9 =	vld [tilespmem:s19+$0x30]  }
0x6e: {  	v8 =	vld [tilespmem:s19+$0x40]  }
0x6f: {  	v12 =	vadd.f32 v12, v6;
	v6 =	vld [tilespmem:s19+$0x50]  }
0x70: {  	s1 =	sadd.s32 $0x200, s1;
	v11 =	vadd.f32 v11, v7;
	v7 =	vld [tilespmem:s19+$0x60]  }
0x71: {  	[tilespmem:s19+$0x0] =	vst v12;
	v5 =	vadd.f32 v5, v10;
	v10 =	vld [tilespmem:s19+$0x70]  }
0x72: {  	[tilespmem:s19+$0x10] =	vst v11;
	v4 =	vadd.f32 v4, v9  }
0x73: {  	[tilespmem:s19+$0x20] =	vst v5;
	v3 =	vadd.f32 v3, v8  }
0x74: {  	[tilespmem:s19+$0x30] =	vst v4;
	v2 =	vadd.f32 v2, v6  }
0x75: {  	[tilespmem:s19+$0x40] =	vst v3;
	v1 =	vadd.f32 v1, v7  }
0x76: {  	[tilespmem:s19+$0x50] =	vst v2;
	v0 =	vadd.f32 v0, v10  }
0x77: {  	[tilespmem:s19+$0x60] =	vst v1  }
0x78: {  	s1 =	simm.s32 $0x0;
	[tilespmem:s19+$0x70] =	vst v0  }
0x79: {  	[hbm4b:s7+s1] =	stream.linear.scatter [tilespmem:s1], [sflag:$0x1], $0x8000, $0x38;
	[tilespmem:$0x10000] =	vst v63  }
0x7a: {  	_ =	swait.ge [sflag:s29], $0x8000  }
0x7b: {  	[sflag:s29] =	ssyncset.done $0x0  }
0x7c: {  	[sflag:s29] =	ssyncadd.s32 $0xFFFF8000  }
0x7d: {  	[tilespmem:s1], [sflag:$0x1] =	stream.linear.gather [hbm4b:s8+s1], $0x8000, $0x38;
	[tilespmem:$0x10000] =	vst v63  }
0x7e: {  	_ =	swait.ge [sflag:s29], $0x8000  }
0x7f: {  	[sflag:s29] =	ssyncset.done $0x0  }
0x80: {  	[sflag:s29] =	ssyncadd.s32 $0xFFFF8000  }
0x81: {  	[tilespmem:s30], [sflag:$0x1] =	stream.linear.gather [hbm4b:s9+s1], $0x8000, $0x38;
	[tilespmem:$0x10000] =	vst v63  }
0x82: {  	_ =	swait.ge [sflag:s29], $0x8000  }
0x83: {  	[sflag:s29] =	ssyncset.done $0x0  }
0x84: {  	s19 =	simm.s32 $0x0;
	[sflag:s29] =	ssyncadd.s32 $0xFFFF8000  }
0x85: {  	v7 =	vld [tilespmem:s19+$0x8000]  }
0x86: {  	v11 =	vld [tilespmem:s19+$0x8010]  }
0x87: {  	v5 =	vld [tilespmem:s19+$0x8020]  }
0x88: {  	v4 =	vld [tilespmem:s19+$0x8030]  }
0x89: {  	v3 =	vld [tilespmem:s19+$0x8040]  }
0x8a: {  	v2 =	vld [tilespmem:s19+$0x8050]  }
0x8b: {  	v1 =	vld [tilespmem:s19+$0x8060]  }
0x8c: {  	v0 =	vld [tilespmem:s19+$0x8070]  }
0x8d: {  	v12 =	vld [tilespmem:s19+$0x0]  }
0x8e: {  	v13 =	vld [tilespmem:s19+$0x10]  }
0x8f: {  	v10 =	vld [tilespmem:s19+$0x20]  }
0x90: {  	v9 =	vld [tilespmem:s19+$0x30]  }
0x91: {  	v8 =	vld [tilespmem:s19+$0x40]  }
0x92: {  	v6 =	vld [tilespmem:s19+$0x50];
	v12 =	vadd.f32 v7, v12  }
0x93: {  	s1 =	simm.s32 $0x200;
	v11 =	vadd.f32 v11, v13;
	v7 =	vld [tilespmem:s19+$0x60]  }
.LBB2_6:
0x94: {  	s2 =	sshra.s32 s1, $0x2;
	p0 =	sne.s32 s1, $0x1FE00;
	[tilespmem:s19+$0x0] =	vst v12;
	v5 =	vadd.f32 v5, v10;
	v10 =	vld [tilespmem:s19+$0x70]  }
0x95: {  	v12 =	vld [tilespmem:s2+$0x8000];
	[tilespmem:s19+$0x10] =	vst v11;
	v4 =	vadd.f32 v4, v9  }
0x96: {  	v11 =	vld [tilespmem:s2+$0x8010];
	[tilespmem:s19+$0x20] =	vst v5;
	v3 =	vadd.f32 v3, v8  }
0x97: {  	v5 =	vld [tilespmem:s2+$0x8020];
	[tilespmem:s19+$0x30] =	vst v4;
	v2 =	vadd.f32 v2, v6  }
0x98: {  	v4 =	vld [tilespmem:s2+$0x8030];
	[tilespmem:s19+$0x40] =	vst v3;
	v1 =	vadd.f32 v1, v7  }
0x99: {  	v3 =	vld [tilespmem:s2+$0x8040];
	[tilespmem:s19+$0x50] =	vst v2;
	v0 =	vadd.f32 v0, v10  }
0x9a: {  	v2 =	vld [tilespmem:s2+$0x8050];
	[tilespmem:s19+$0x60] =	vst v1  }
0x9b: {  	v1 =	vld [tilespmem:s2+$0x8060];
	[tilespmem:s19+$0x70] =	vst v0;
	s19 =	smov.u32 s2  }
0x9c: {  	v0 =	vld [tilespmem:s19+$0x8070]  }
0x9d: {  	v6 =	vld [tilespmem:s19+$0x0]  }
0x9e: {  	v7 =	vld [tilespmem:s19+$0x10]  }
.Ltmp2:
0x9f: {  	v10 =	vld [tilespmem:s19+$0x20];
	(pc) =	sbr.rel @p0 .LBB2_6-.Ltmp2, $4  }
0xa0: {  	v9 =	vld [tilespmem:s19+$0x30]  }
0xa1: {  	v8 =	vld [tilespmem:s19+$0x40]  }
0xa2: {  	v12 =	vadd.f32 v12, v6;
	v6 =	vld [tilespmem:s19+$0x50]  }
0xa3: {  	s1 =	sadd.s32 $0x200, s1;
	v11 =	vadd.f32 v11, v7;
	v7 =	vld [tilespmem:s19+$0x60]  }
0xa4: {  	[tilespmem:s19+$0x0] =	vst v12;
	v5 =	vadd.f32 v5, v10;
	v10 =	vld [tilespmem:s19+$0x70]  }
0xa5: {  	[tilespmem:s19+$0x10] =	vst v11;
	v4 =	vadd.f32 v4, v9  }
0xa6: {  	[tilespmem:s19+$0x20] =	vst v5;
	v3 =	vadd.f32 v3, v8  }
0xa7: {  	[tilespmem:s19+$0x30] =	vst v4;
	v2 =	vadd.f32 v2, v6  }
0xa8: {  	[tilespmem:s19+$0x40] =	vst v3;
	v1 =	vadd.f32 v1, v7  }
0xa9: {  	[tilespmem:s19+$0x50] =	vst v2;
	v0 =	vadd.f32 v0, v10  }
0xaa: {  	[tilespmem:s19+$0x60] =	vst v1  }
0xab: {  	s1 =	simm.s32 $0x0;
	[tilespmem:s19+$0x70] =	vst v0  }
0xac: {  	[hbm4b:s10+s1] =	stream.linear.scatter [tilespmem:s1], [sflag:$0x1], $0x8000, $0x38;
	[tilespmem:$0x10000] =	vst v63  }
0xad: {  	_ =	swait.ge [sflag:s29], $0x8000  }
0xae: {  	[sflag:s29] =	ssyncset.done $0x0  }
0xaf: {  	[sflag:s29] =	ssyncadd.s32 $0xFFFF8000  }
0xb0: {  	[tilespmem:s1], [sflag:$0x1] =	stream.linear.gather [hbm4b:s11+s1], $0x8000, $0x38;
	[tilespmem:$0x10000] =	vst v63  }
0xb1: {  	_ =	swait.ge [sflag:s29], $0x8000  }
0xb2: {  	[sflag:s29] =	ssyncset.done $0x0  }
0xb3: {  	[sflag:s29] =	ssyncadd.s32 $0xFFFF8000  }
0xb4: {  	[tilespmem:s30], [sflag:$0x1] =	stream.linear.gather [hbm4b:s12+s1], $0x8000, $0x38;
	[tilespmem:$0x10000] =	vst v63  }
0xb5: {  	_ =	swait.ge [sflag:s29], $0x8000  }
0xb6: {  	[sflag:s29] =	ssyncset.done $0x0  }
0xb7: {  	s19 =	simm.s32 $0x0;
	[sflag:s29] =	ssyncadd.s32 $0xFFFF8000  }
0xb8: {  	v7 =	vld [tilespmem:s19+$0x8000]  }
0xb9: {  	v11 =	vld [tilespmem:s19+$0x8010]  }
0xba: {  	v5 =	vld [tilespmem:s19+$0x8020]  }
0xbb: {  	v4 =	vld [tilespmem:s19+$0x8030]  }
0xbc: {  	v3 =	vld [tilespmem:s19+$0x8040]  }
0xbd: {  	v2 =	vld [tilespmem:s19+$0x8050]  }
0xbe: {  	v1 =	vld [tilespmem:s19+$0x8060]  }
0xbf: {  	v0 =	vld [tilespmem:s19+$0x8070]  }
0xc0: {  	v12 =	vld [tilespmem:s19+$0x0]  }
0xc1: {  	v13 =	vld [tilespmem:s19+$0x10]  }
0xc2: {  	v10 =	vld [tilespmem:s19+$0x20]  }
0xc3: {  	v9 =	vld [tilespmem:s19+$0x30]  }
0xc4: {  	v8 =	vld [tilespmem:s19+$0x40]  }
0xc5: {  	v6 =	vld [tilespmem:s19+$0x50];
	v12 =	vadd.f32 v7, v12  }
0xc6: {  	s1 =	simm.s32 $0x200;
	v11 =	vadd.f32 v11, v13;
	v7 =	vld [tilespmem:s19+$0x60]  }
.LBB2_8:
0xc7: {  	s2 =	sshra.s32 s1, $0x2;
	p0 =	sne.s32 s1, $0x1FE00;
	[tilespmem:s19+$0x0] =	vst v12;
	v5 =	vadd.f32 v5, v10;
	v10 =	vld [tilespmem:s19+$0x70]  }
0xc8: {  	v12 =	vld [tilespmem:s2+$0x8000];
	[tilespmem:s19+$0x10] =	vst v11;
	v4 =	vadd.f32 v4, v9  }
0xc9: {  	v11 =	vld [tilespmem:s2+$0x8010];
	[tilespmem:s19+$0x20] =	vst v5;
	v3 =	vadd.f32 v3, v8  }
0xca: {  	v5 =	vld [tilespmem:s2+$0x8020];
	[tilespmem:s19+$0x30] =	vst v4;
	v2 =	vadd.f32 v2, v6  }
0xcb: {  	v4 =	vld [tilespmem:s2+$0x8030];
	[tilespmem:s19+$0x40] =	vst v3;
	v1 =	vadd.f32 v1, v7  }
0xcc: {  	v3 =	vld [tilespmem:s2+$0x8040];
	[tilespmem:s19+$0x50] =	vst v2;
	v0 =	vadd.f32 v0, v10  }
0xcd: {  	v2 =	vld [tilespmem:s2+$0x8050];
	[tilespmem:s19+$0x60] =	vst v1  }
0xce: {  	v1 =	vld [tilespmem:s2+$0x8060];
	[tilespmem:s19+$0x70] =	vst v0;
	s19 =	smov.u32 s2  }
0xcf: {  	v0 =	vld [tilespmem:s19+$0x8070]  }
0xd0: {  	v6 =	vld [tilespmem:s19+$0x0]  }
0xd1: {  	v7 =	vld [tilespmem:s19+$0x10]  }
.Ltmp3:
0xd2: {  	v10 =	vld [tilespmem:s19+$0x20];
	(pc) =	sbr.rel @p0 .LBB2_8-.Ltmp3, $4  }
0xd3: {  	v9 =	vld [tilespmem:s19+$0x30]  }
0xd4: {  	v8 =	vld [tilespmem:s19+$0x40]  }
0xd5: {  	v12 =	vadd.f32 v12, v6;
	v6 =	vld [tilespmem:s19+$0x50]  }
0xd6: {  	s1 =	sadd.s32 $0x200, s1;
	v11 =	vadd.f32 v11, v7;
	v7 =	vld [tilespmem:s19+$0x60]  }
0xd7: {  	[tilespmem:s19+$0x0] =	vst v12;
	v5 =	vadd.f32 v5, v10;
	v10 =	vld [tilespmem:s19+$0x70]  }
0xd8: {  	[tilespmem:s19+$0x10] =	vst v11;
	v4 =	vadd.f32 v4, v9  }
0xd9: {  	[tilespmem:s19+$0x20] =	vst v5;
	v3 =	vadd.f32 v3, v8  }
0xda: {  	[tilespmem:s19+$0x30] =	vst v4;
	v2 =	vadd.f32 v2, v6  }
0xdb: {  	[tilespmem:s19+$0x40] =	vst v3;
	v1 =	vadd.f32 v1, v7  }
0xdc: {  	[tilespmem:s19+$0x50] =	vst v2;
	v0 =	vadd.f32 v0, v10  }
0xdd: {  	[tilespmem:s19+$0x60] =	vst v1  }
0xde: {  	s1 =	simm.s32 $0x0;
	[tilespmem:s19+$0x70] =	vst v0  }
0xdf: {  	[hbm4b:s13+s1] =	stream.linear.scatter [tilespmem:s1], [sflag:$0x1], $0x8000, $0x38;
	[tilespmem:$0x10000] =	vst v63  }
0xe0: {  	_ =	swait.ge [sflag:s29], $0x8000  }
0xe1: {  	[sflag:s29] =	ssyncset.done $0x0  }
0xe2: {  	[sflag:s29] =	ssyncadd.s32 $0xFFFF8000  }
0xe3: {  	[tilespmem:s1], [sflag:$0x1] =	stream.linear.gather [hbm4b:s18+s1], $0x8000, $0x38;
	[tilespmem:$0x10000] =	vst v63  }
0xe4: {  	_ =	swait.ge [sflag:s29], $0x8000  }
0xe5: {  	[sflag:s29] =	ssyncset.done $0x0  }
0xe6: {  	[sflag:s29] =	ssyncadd.s32 $0xFFFF8000  }
0xe7: {  	[tilespmem:s30], [sflag:$0x1] =	stream.linear.gather [hbm4b:s14+s1], $0x8000, $0x38;
	[tilespmem:$0x10000] =	vst v63  }
0xe8: {  	_ =	swait.ge [sflag:s29], $0x8000  }
0xe9: {  	[sflag:s29] =	ssyncset.done $0x0  }
0xea: {  	s19 =	simm.s32 $0x0;
	[sflag:s29] =	ssyncadd.s32 $0xFFFF8000  }
0xeb: {  	v7 =	vld [tilespmem:s19+$0x8000]  }
0xec: {  	v11 =	vld [tilespmem:s19+$0x8010]  }
0xed: {  	v5 =	vld [tilespmem:s19+$0x8020]  }
0xee: {  	v4 =	vld [tilespmem:s19+$0x8030]  }
0xef: {  	v3 =	vld [tilespmem:s19+$0x8040]  }
0xf0: {  	v2 =	vld [tilespmem:s19+$0x8050]  }
0xf1: {  	v1 =	vld [tilespmem:s19+$0x8060]  }
0xf2: {  	v0 =	vld [tilespmem:s19+$0x8070]  }
0xf3: {  	v12 =	vld [tilespmem:s19+$0x0]  }
0xf4: {  	v13 =	vld [tilespmem:s19+$0x10]  }
0xf5: {  	v10 =	vld [tilespmem:s19+$0x20]  }
0xf6: {  	v9 =	vld [tilespmem:s19+$0x30]  }
0xf7: {  	v8 =	vld [tilespmem:s19+$0x40]  }
0xf8: {  	v6 =	vld [tilespmem:s19+$0x50];
	v12 =	vadd.f32 v7, v12  }
0xf9: {  	s1 =	simm.s32 $0x200;
	v11 =	vadd.f32 v11, v13;
	v7 =	vld [tilespmem:s19+$0x60]  }
.LBB2_10:
0xfa: {  	s2 =	sshra.s32 s1, $0x2;
	p0 =	sne.s32 s1, $0x1FE00;
	[tilespmem:s19+$0x0] =	vst v12;
	v5 =	vadd.f32 v5, v10;
	v10 =	vld [tilespmem:s19+$0x70]  }
0xfb: {  	v12 =	vld [tilespmem:s2+$0x8000];
	[tilespmem:s19+$0x10] =	vst v11;
	v4 =	vadd.f32 v4, v9  }
0xfc: {  	v11 =	vld [tilespmem:s2+$0x8010];
	[tilespmem:s19+$0x20] =	vst v5;
	v3 =	vadd.f32 v3, v8  }
0xfd: {  	v5 =	vld [tilespmem:s2+$0x8020];
	[tilespmem:s19+$0x30] =	vst v4;
	v2 =	vadd.f32 v2, v6  }
0xfe: {  	v4 =	vld [tilespmem:s2+$0x8030];
	[tilespmem:s19+$0x40] =	vst v3;
	v1 =	vadd.f32 v1, v7  }
0xff: {  	v3 =	vld [tilespmem:s2+$0x8040];
	[tilespmem:s19+$0x50] =	vst v2;
	v0 =	vadd.f32 v0, v10  }
0x100: {  	v2 =	vld [tilespmem:s2+$0x8050];
	[tilespmem:s19+$0x60] =	vst v1  }
0x101: {  	v1 =	vld [tilespmem:s2+$0x8060];
	[tilespmem:s19+$0x70] =	vst v0;
	s19 =	smov.u32 s2  }
0x102: {  	v0 =	vld [tilespmem:s19+$0x8070]  }
0x103: {  	v6 =	vld [tilespmem:s19+$0x0]  }
0x104: {  	v7 =	vld [tilespmem:s19+$0x10]  }
.Ltmp4:
0x105: {  	v10 =	vld [tilespmem:s19+$0x20];
	(pc) =	sbr.rel @p0 .LBB2_10-.Ltmp4, $4  }
0x106: {  	v9 =	vld [tilespmem:s19+$0x30]  }
0x107: {  	v8 =	vld [tilespmem:s19+$0x40]  }
0x108: {  	v12 =	vadd.f32 v12, v6;
	v6 =	vld [tilespmem:s19+$0x50]  }
0x109: {  	s1 =	sadd.s32 $0x200, s1;
	v11 =	vadd.f32 v11, v7;
	v7 =	vld [tilespmem:s19+$0x60]  }
0x10a: {  	[tilespmem:s19+$0x0] =	vst v12;
	v5 =	vadd.f32 v5, v10;
	v10 =	vld [tilespmem:s19+$0x70]  }
0x10b: {  	[tilespmem:s19+$0x10] =	vst v11;
	v4 =	vadd.f32 v4, v9  }
0x10c: {  	[tilespmem:s19+$0x20] =	vst v5;
	v3 =	vadd.f32 v3, v8  }
0x10d: {  	[tilespmem:s19+$0x30] =	vst v4;
	v2 =	vadd.f32 v2, v6  }
0x10e: {  	[tilespmem:s19+$0x40] =	vst v3;
	v1 =	vadd.f32 v1, v7  }
0x10f: {  	[tilespmem:s19+$0x50] =	vst v2;
	v0 =	vadd.f32 v0, v10  }
0x110: {  	[tilespmem:s19+$0x60] =	vst v1  }
0x111: {  	s1 =	simm.s32 $0x0;
	[tilespmem:s19+$0x70] =	vst v0  }
0x112: {  	[hbm4b:s20+s1] =	stream.linear.scatter [tilespmem:s1], [sflag:$0x1], $0x8000, $0x38;
	[tilespmem:$0x10000] =	vst v63  }
0x113: {  	_ =	swait.ge [sflag:s29], $0x8000  }
0x114: {  	[sflag:s29] =	ssyncset.done $0x0  }
0x115: {  	[sflag:s29] =	ssyncadd.s32 $0xFFFF8000  }
0x116: {  	[tilespmem:s1], [sflag:$0x1] =	stream.linear.gather [hbm4b:s21+s1], $0x8000, $0x38;
	[tilespmem:$0x10000] =	vst v63  }
0x117: {  	_ =	swait.ge [sflag:s29], $0x8000  }
0x118: {  	[sflag:s29] =	ssyncset.done $0x0  }
0x119: {  	[sflag:s29] =	ssyncadd.s32 $0xFFFF8000  }
0x11a: {  	[tilespmem:s30], [sflag:$0x1] =	stream.linear.gather [hbm4b:s15+s1], $0x8000, $0x38;
	[tilespmem:$0x10000] =	vst v63  }
0x11b: {  	_ =	swait.ge [sflag:s29], $0x8000  }
0x11c: {  	[sflag:s29] =	ssyncset.done $0x0  }
0x11d: {  	s19 =	simm.s32 $0x0;
	[sflag:s29] =	ssyncadd.s32 $0xFFFF8000  }
0x11e: {  	v7 =	vld [tilespmem:s19+$0x8000]  }
0x11f: {  	v11 =	vld [tilespmem:s19+$0x8010]  }
0x120: {  	v5 =	vld [tilespmem:s19+$0x8020]  }
0x121: {  	v4 =	vld [tilespmem:s19+$0x8030]  }
0x122: {  	v3 =	vld [tilespmem:s19+$0x8040]  }
0x123: {  	v2 =	vld [tilespmem:s19+$0x8050]  }
0x124: {  	v1 =	vld [tilespmem:s19+$0x8060]  }
0x125: {  	v0 =	vld [tilespmem:s19+$0x8070]  }
0x126: {  	v12 =	vld [tilespmem:s19+$0x0]  }
0x127: {  	v13 =	vld [tilespmem:s19+$0x10]  }
0x128: {  	v10 =	vld [tilespmem:s19+$0x20]  }
0x129: {  	v9 =	vld [tilespmem:s19+$0x30]  }
0x12a: {  	v8 =	vld [tilespmem:s19+$0x40]  }
0x12b: {  	v6 =	vld [tilespmem:s19+$0x50];
	v12 =	vadd.f32 v7, v12  }
0x12c: {  	s1 =	simm.s32 $0x200;
	v11 =	vadd.f32 v11, v13;
	v7 =	vld [tilespmem:s19+$0x60]  }
.LBB2_12:
0x12d: {  	s2 =	sshra.s32 s1, $0x2;
	p0 =	sne.s32 s1, $0x1FE00;
	[tilespmem:s19+$0x0] =	vst v12;
	v5 =	vadd.f32 v5, v10;
	v10 =	vld [tilespmem:s19+$0x70]  }
0x12e: {  	v12 =	vld [tilespmem:s2+$0x8000];
	[tilespmem:s19+$0x10] =	vst v11;
	v4 =	vadd.f32 v4, v9  }
0x12f: {  	v11 =	vld [tilespmem:s2+$0x8010];
	[tilespmem:s19+$0x20] =	vst v5;
	v3 =	vadd.f32 v3, v8  }
0x130: {  	v5 =	vld [tilespmem:s2+$0x8020];
	[tilespmem:s19+$0x30] =	vst v4;
	v2 =	vadd.f32 v2, v6  }
0x131: {  	v4 =	vld [tilespmem:s2+$0x8030];
	[tilespmem:s19+$0x40] =	vst v3;
	v1 =	vadd.f32 v1, v7  }
0x132: {  	v3 =	vld [tilespmem:s2+$0x8040];
	[tilespmem:s19+$0x50] =	vst v2;
	v0 =	vadd.f32 v0, v10  }
0x133: {  	v2 =	vld [tilespmem:s2+$0x8050];
	[tilespmem:s19+$0x60] =	vst v1  }
0x134: {  	v1 =	vld [tilespmem:s2+$0x8060];
	[tilespmem:s19+$0x70] =	vst v0;
	s19 =	smov.u32 s2  }
0x135: {  	v0 =	vld [tilespmem:s19+$0x8070]  }
0x136: {  	v6 =	vld [tilespmem:s19+$0x0]  }
0x137: {  	v7 =	vld [tilespmem:s19+$0x10]  }
.Ltmp5:
0x138: {  	v10 =	vld [tilespmem:s19+$0x20];
	(pc) =	sbr.rel @p0 .LBB2_12-.Ltmp5, $4  }
0x139: {  	v9 =	vld [tilespmem:s19+$0x30]  }
0x13a: {  	v8 =	vld [tilespmem:s19+$0x40]  }
0x13b: {  	v12 =	vadd.f32 v12, v6;
	v6 =	vld [tilespmem:s19+$0x50]  }
0x13c: {  	s1 =	sadd.s32 $0x200, s1;
	v11 =	vadd.f32 v11, v7;
	v7 =	vld [tilespmem:s19+$0x60]  }
0x13d: {  	[tilespmem:s19+$0x0] =	vst v12;
	v5 =	vadd.f32 v5, v10;
	v10 =	vld [tilespmem:s19+$0x70]  }
0x13e: {  	[tilespmem:s19+$0x10] =	vst v11;
	v4 =	vadd.f32 v4, v9  }
0x13f: {  	[tilespmem:s19+$0x20] =	vst v5;
	v3 =	vadd.f32 v3, v8  }
0x140: {  	[tilespmem:s19+$0x30] =	vst v4;
	v2 =	vadd.f32 v2, v6  }
0x141: {  	[tilespmem:s19+$0x40] =	vst v3;
	v1 =	vadd.f32 v1, v7  }
0x142: {  	[tilespmem:s19+$0x50] =	vst v2;
	v0 =	vadd.f32 v0, v10  }
0x143: {  	[tilespmem:s19+$0x60] =	vst v1  }
0x144: {  	s1 =	simm.s32 $0x0;
	[tilespmem:s19+$0x70] =	vst v0  }
0x145: {  	[hbm4b:s22+s1] =	stream.linear.scatter [tilespmem:s1], [sflag:$0x1], $0x8000, $0x38;
	[tilespmem:$0x10000] =	vst v63  }
0x146: {  	_ =	swait.ge [sflag:s29], $0x8000  }
0x147: {  	[sflag:s29] =	ssyncset.done $0x0  }
0x148: {  	[sflag:s29] =	ssyncadd.s32 $0xFFFF8000  }
0x149: {  	[tilespmem:s1], [sflag:$0x1] =	stream.linear.gather [hbm4b:s23+s1], $0x8000, $0x38;
	[tilespmem:$0x10000] =	vst v63  }
0x14a: {  	_ =	swait.ge [sflag:s29], $0x8000  }
0x14b: {  	[sflag:s29] =	ssyncset.done $0x0  }
0x14c: {  	[sflag:s29] =	ssyncadd.s32 $0xFFFF8000  }
0x14d: {  	[tilespmem:s30], [sflag:$0x1] =	stream.linear.gather [hbm4b:s16+s1], $0x8000, $0x38;
	[tilespmem:$0x10000] =	vst v63  }
0x14e: {  	_ =	swait.ge [sflag:s29], $0x8000  }
0x14f: {  	[sflag:s29] =	ssyncset.done $0x0  }
0x150: {  	s19 =	simm.s32 $0x0;
	[sflag:s29] =	ssyncadd.s32 $0xFFFF8000  }
0x151: {  	v7 =	vld [tilespmem:s19+$0x8000]  }
0x152: {  	v11 =	vld [tilespmem:s19+$0x8010]  }
0x153: {  	v5 =	vld [tilespmem:s19+$0x8020]  }
0x154: {  	v4 =	vld [tilespmem:s19+$0x8030]  }
0x155: {  	v3 =	vld [tilespmem:s19+$0x8040]  }
0x156: {  	v2 =	vld [tilespmem:s19+$0x8050]  }
0x157: {  	v1 =	vld [tilespmem:s19+$0x8060]  }
0x158: {  	v0 =	vld [tilespmem:s19+$0x8070]  }
0x159: {  	v12 =	vld [tilespmem:s19+$0x0]  }
0x15a: {  	v13 =	vld [tilespmem:s19+$0x10]  }
0x15b: {  	v10 =	vld [tilespmem:s19+$0x20]  }
0x15c: {  	v9 =	vld [tilespmem:s19+$0x30]  }
0x15d: {  	v8 =	vld [tilespmem:s19+$0x40]  }
0x15e: {  	v6 =	vld [tilespmem:s19+$0x50];
	v12 =	vadd.f32 v7, v12  }
0x15f: {  	s1 =	simm.s32 $0x200;
	v11 =	vadd.f32 v11, v13;
	v7 =	vld [tilespmem:s19+$0x60]  }
.LBB2_14:
0x160: {  	s2 =	sshra.s32 s1, $0x2;
	p0 =	sne.s32 s1, $0x1FE00;
	[tilespmem:s19+$0x0] =	vst v12;
	v5 =	vadd.f32 v5, v10;
	v10 =	vld [tilespmem:s19+$0x70]  }
0x161: {  	v12 =	vld [tilespmem:s2+$0x8000];
	[tilespmem:s19+$0x10] =	vst v11;
	v4 =	vadd.f32 v4, v9  }
0x162: {  	v11 =	vld [tilespmem:s2+$0x8010];
	[tilespmem:s19+$0x20] =	vst v5;
	v3 =	vadd.f32 v3, v8  }
0x163: {  	v5 =	vld [tilespmem:s2+$0x8020];
	[tilespmem:s19+$0x30] =	vst v4;
	v2 =	vadd.f32 v2, v6  }
0x164: {  	v4 =	vld [tilespmem:s2+$0x8030];
	[tilespmem:s19+$0x40] =	vst v3;
	v1 =	vadd.f32 v1, v7  }
0x165: {  	v3 =	vld [tilespmem:s2+$0x8040];
	[tilespmem:s19+$0x50] =	vst v2;
	v0 =	vadd.f32 v0, v10  }
0x166: {  	v2 =	vld [tilespmem:s2+$0x8050];
	[tilespmem:s19+$0x60] =	vst v1  }
0x167: {  	v1 =	vld [tilespmem:s2+$0x8060];
	[tilespmem:s19+$0x70] =	vst v0;
	s19 =	smov.u32 s2  }
0x168: {  	v0 =	vld [tilespmem:s19+$0x8070]  }
0x169: {  	v6 =	vld [tilespmem:s19+$0x0]  }
0x16a: {  	v7 =	vld [tilespmem:s19+$0x10]  }
.Ltmp6:
0x16b: {  	v10 =	vld [tilespmem:s19+$0x20];
	(pc) =	sbr.rel @p0 .LBB2_14-.Ltmp6, $4  }
0x16c: {  	v9 =	vld [tilespmem:s19+$0x30]  }
0x16d: {  	v8 =	vld [tilespmem:s19+$0x40]  }
0x16e: {  	v12 =	vadd.f32 v12, v6;
	v6 =	vld [tilespmem:s19+$0x50]  }
0x16f: {  	s1 =	sadd.s32 $0x200, s1;
	v11 =	vadd.f32 v11, v7;
	v7 =	vld [tilespmem:s19+$0x60]  }
0x170: {  	[tilespmem:s19+$0x0] =	vst v12;
	v5 =	vadd.f32 v5, v10;
	v10 =	vld [tilespmem:s19+$0x70]  }
0x171: {  	[tilespmem:s19+$0x10] =	vst v11;
	v4 =	vadd.f32 v4, v9  }
0x172: {  	[tilespmem:s19+$0x20] =	vst v5;
	v3 =	vadd.f32 v3, v8  }
0x173: {  	[tilespmem:s19+$0x30] =	vst v4;
	v2 =	vadd.f32 v2, v6  }
0x174: {  	[tilespmem:s19+$0x40] =	vst v3;
	v1 =	vadd.f32 v1, v7  }
0x175: {  	[tilespmem:s19+$0x50] =	vst v2;
	v0 =	vadd.f32 v0, v10  }
0x176: {  	[tilespmem:s19+$0x60] =	vst v1  }
0x177: {  	s1 =	simm.s32 $0x0;
	[tilespmem:s19+$0x70] =	vst v0  }
0x178: {  	[hbm4b:s24+s1] =	stream.linear.scatter [tilespmem:s1], [sflag:$0x1], $0x8000, $0x38;
	[tilespmem:$0x10000] =	vst v63  }
0x179: {  	_ =	swait.ge [sflag:s29], $0x8000  }
0x17a: {  	[sflag:s29] =	ssyncset.done $0x0  }
0x17b: {  	[sflag:s29] =	ssyncadd.s32 $0xFFFF8000  }
0x17c: {  	[tilespmem:s1], [sflag:$0x1] =	stream.linear.gather [hbm4b:s25+s1], $0x8000, $0x38;
	[tilespmem:$0x10000] =	vst v63  }
0x17d: {  	_ =	swait.ge [sflag:s29], $0x8000  }
0x17e: {  	[sflag:s29] =	ssyncset.done $0x0  }
0x17f: {  	[sflag:s29] =	ssyncadd.s32 $0xFFFF8000  }
0x180: {  	[tilespmem:s30], [sflag:$0x1] =	stream.linear.gather [hbm4b:s17+s1], $0x8000, $0x38;
	[tilespmem:$0x10000] =	vst v63  }
0x181: {  	_ =	swait.ge [sflag:s29], $0x8000  }
0x182: {  	[sflag:s29] =	ssyncset.done $0x0  }
0x183: {  	s19 =	simm.s32 $0x0;
	[sflag:s29] =	ssyncadd.s32 $0xFFFF8000  }
0x184: {  	v7 =	vld [tilespmem:s19+$0x8000]  }
0x185: {  	v11 =	vld [tilespmem:s19+$0x8010]  }
0x186: {  	v5 =	vld [tilespmem:s19+$0x8020]  }
0x187: {  	v4 =	vld [tilespmem:s19+$0x8030]  }
0x188: {  	v3 =	vld [tilespmem:s19+$0x8040]  }
0x189: {  	v2 =	vld [tilespmem:s19+$0x8050]  }
0x18a: {  	v1 =	vld [tilespmem:s19+$0x8060]  }
0x18b: {  	v0 =	vld [tilespmem:s19+$0x8070]  }
0x18c: {  	v12 =	vld [tilespmem:s19+$0x0]  }
0x18d: {  	v13 =	vld [tilespmem:s19+$0x10]  }
0x18e: {  	v10 =	vld [tilespmem:s19+$0x20]  }
0x18f: {  	v9 =	vld [tilespmem:s19+$0x30]  }
0x190: {  	v8 =	vld [tilespmem:s19+$0x40]  }
0x191: {  	v6 =	vld [tilespmem:s19+$0x50];
	v12 =	vadd.f32 v7, v12  }
0x192: {  	s1 =	simm.s32 $0x200;
	v11 =	vadd.f32 v11, v13;
	v7 =	vld [tilespmem:s19+$0x60]  }
.LBB2_16:
0x193: {  	s2 =	sshra.s32 s1, $0x2;
	p0 =	sne.s32 s1, $0x1FE00;
	[tilespmem:s19+$0x0] =	vst v12;
	v5 =	vadd.f32 v5, v10;
	v10 =	vld [tilespmem:s19+$0x70]  }
0x194: {  	v12 =	vld [tilespmem:s2+$0x8000];
	[tilespmem:s19+$0x10] =	vst v11;
	v4 =	vadd.f32 v4, v9  }
0x195: {  	v11 =	vld [tilespmem:s2+$0x8010];
	[tilespmem:s19+$0x20] =	vst v5;
	v3 =	vadd.f32 v3, v8  }
0x196: {  	v5 =	vld [tilespmem:s2+$0x8020];
	[tilespmem:s19+$0x30] =	vst v4;
	v2 =	vadd.f32 v2, v6  }
0x197: {  	v4 =	vld [tilespmem:s2+$0x8030];
	[tilespmem:s19+$0x40] =	vst v3;
	v1 =	vadd.f32 v1, v7  }
0x198: {  	v3 =	vld [tilespmem:s2+$0x8040];
	[tilespmem:s19+$0x50] =	vst v2;
	v0 =	vadd.f32 v0, v10  }
0x199: {  	v2 =	vld [tilespmem:s2+$0x8050];
	[tilespmem:s19+$0x60] =	vst v1  }
0x19a: {  	v1 =	vld [tilespmem:s2+$0x8060];
	[tilespmem:s19+$0x70] =	vst v0;
	s19 =	smov.u32 s2  }
0x19b: {  	v0 =	vld [tilespmem:s19+$0x8070]  }
0x19c: {  	v6 =	vld [tilespmem:s19+$0x0]  }
0x19d: {  	v7 =	vld [tilespmem:s19+$0x10]  }
.Ltmp7:
0x19e: {  	v10 =	vld [tilespmem:s19+$0x20];
	(pc) =	sbr.rel @p0 .LBB2_16-.Ltmp7, $4  }
0x19f: {  	v9 =	vld [tilespmem:s19+$0x30]  }
0x1a0: {  	v8 =	vld [tilespmem:s19+$0x40]  }
0x1a1: {  	v12 =	vadd.f32 v12, v6;
	v6 =	vld [tilespmem:s19+$0x50]  }
0x1a2: {  	s1 =	sadd.s32 $0x200, s1;
	v11 =	vadd.f32 v11, v7;
	v7 =	vld [tilespmem:s19+$0x60]  }
0x1a3: {  	[tilespmem:s19+$0x0] =	vst v12;
	v5 =	vadd.f32 v5, v10;
	v63 =	vld [tilespmem:s19+$0x70]  }
0x1a4: {  	[tilespmem:s19+$0x10] =	vst v11;
	v4 =	vadd.f32 v4, v9  }
0x1a5: {  	[tilespmem:s19+$0x20] =	vst v5;
	v3 =	vadd.f32 v3, v8  }
0x1a6: {  	[tilespmem:s19+$0x30] =	vst v4;
	v2 =	vadd.f32 v2, v6  }
0x1a7: {  	[tilespmem:s19+$0x40] =	vst v3;
	v1 =	vadd.f32 v1, v7  }
0x1a8: {  	s31 =	sadd.s32 $0x1, s31;
	[tilespmem:s19+$0x50] =	vst v2;
	v0 =	vadd.f32 v0, v63  }
0x1a9: {  	p0 =	sne.s32 s31, s28;
	[tilespmem:s19+$0x60] =	vst v1  }
.Ltmp8:
0x1aa: {  	[tilespmem:s19+$0x70] =	vst v0;
	(pc) =	sbr.rel @p0 .LBB2_1-.Ltmp8, $4  }
0x1ab: {  	[hbm4b:s26+s0] =	stream.linear.scatter [tilespmem:s0], [sflag:$0x1], $0x8000, $0x38;
	[tilespmem:$0x10000] =	vst v63  }
0x1ac: {  	_ =	swait.ge [sflag:s29], $0x8000  }
0x1ad: {  	[sflag:s29] =	ssyncset.done $0x0  }
0x1ae: {  	[sflag:s29] =	ssyncadd.s32 $0xFFFF8000  }
0x1af: {  	_ =	sfence.sel $0x180000  }
0x1b0: {  	[bflag:$0x0] =	sbarrier.arrive $0xFFFF  }
0x1b1: {  	_ =	strace $0x9000004A  }
0x1b2: {  	s0 =	stileid.u32;
	[bflag:$0x2] =	sbarrier.arrive $0xFFFF  }
0x1b3: {  	p0 =	sne.s32 s0, $0x0;
	s0 =	rddreg [dreg:$0x2]  }
0x1b4: {  	s0 =	sadd.s32 @!p0 $0x100000, s0  }
0x1b5: {  	[sflag:s0] =	ssyncadd.tile.s32 @!p0 $0x1;
	_ =	shalt  }
.Lfunc_end2:
_tile_overlayer_lowered:
.L_overlay_start_2:
0x1b6: {  	(tag) =	ssettag $0x2  }
0x1b7: {  	s0 =	rddreg [dreg:$0x0];
	s2 =	stileid.u32  }
0x1b8: {  	s1 =	rddreg [dreg:$0x1];
	p0 =	sne.s32 s2, $0x0  }
0x1b9: {  	s3 =	rddreg [dreg:$0x2];
	[bflag:$0x3] =	sbarrier.arrive $0xFFFF;
	s2 =	simm.s32 @!p0 $0x1C01  }
0x1ba: {  	[timem:s3], [sflag:s2] =	dma.local @!p0 [hbm:s0], s1  }
0x1bb: {  	s0 =	simm.s32 @!p0 $0x1  }
0x1bc: {  	_ =	swait.ge @!p0 [sflag:s0], s1  }
0x1bd: {  	s1 =	ssub.s32 @!p0 $0x0, s1;
	[sflag:s0] =	ssyncset.done @!p0 $0x0  }
0x1be: {  	[sflag:s0] =	ssyncadd.s32 @!p0 s1  }
0x1bf: {  	[bflag:$0x3] =	sbarrier.arrive $0xFFFF  }
0x1c0: {  	_ =	shalt  }

// kernel: sparse-core-data-format-call.cloned.1.call-start
scs
called_computation_lowered:
.L_overlay_start_0:
0x0: {  	s2 =	sld [smem:$0x3FD9]  }
0x1: {  	s3 =	sld [smem:$0x3FFE];
	_ =	sdelay $0x1  }
0x2: {  	s1 =	srdreg.scid  }
0x3: {  	s0 =	sand.u32 $0x1, s1  }
0x4: {  	s19 =	sshll.u32 s0, $0xA;
	s2 =	sadd.s32 s3, s2  }
0x5: {  	s2 =	sadd.s32 s2, s19  }
0x6: {  	[smem:$0x3FC6] =	sst s2  }
0x7: {  	_ = 	snop  }
0x8: {  	s2 =	sld [smem:$0x3FC9]  }
0x9: {  	s20 =	sld [smem:$0x3FD0];
	(tm) =	ssettm $0x1  }
0xa: {  	s4 =	sld [smem:$0x3FFB];
	_ =	sdelay $0x3  }
0xb: {  	_ =	strace s4  }
0xc: {  	s4 =	sld [smem:$0x3FFC];
	_ =	sdelay $0x3  }
0xd: {  	_ =	strace s4  }
0xe: {  	s4 =	sld [smem:$0x3FFD];
	_ =	sdelay $0x3  }
0xf: {  	_ =	strace s4  }
0x10: {  	_ =	strace $0x8FFFFFFF  }
0x11: {  	s21 =	sld [smem:$0x3FDB];
	_ =	sdelay $0x1  }
0x12: {  	s5 =	simm.s32 $_scs_section_size  }
0x13: {  	s6 =	simm.s32 $_size__tile_overlayer_lowered;
	s7 =	simm.s32 $_tile_overlayer_lowered  }
0x14: {  	s24 =	simm.s32 $0x1BFF;
	s23 =	sshll.u32 s7, $0x1;
	s4 =	sadd.s32 s5, s21  }
0x15: {  	s8 =	simm.s32 $0x0;
	s22 =	sshll.u32 s6, $0x1;
	s6 =	sadd.s32 s23, s4  }
0x16: {  	[timem:s8], [sflag:s24] =	dma.local [hbm:s6], s22  }
0x17: {  	_ =	swait.ge [sflag:s24], s22  }
0x18: {  	s5 =	ssub.s32 $0x0, s22;
	[sflag:s24] =	ssyncset.done $0x0  }
0x19: {  	[sflag:s24] =	ssyncadd.s32 s5;
	_ =	sdelay $0x1  }
0x1a: {  	s25 =	simm.s32 $0x1B8B  }
0x1b: {  	_ =	swait.ge [sflag:s25], $0x1  }
0x1c: {  	[sflag:s25] =	ssyncset.done $0x0  }
0x1d: {  	s26 =	simm.s32 $0x1B8E;
	[sflag:s25] =	ssyncadd.s32 $0xFFFFFFFF  }
0x1e: {  	s27 =	simm.s32 $execute0_lowered;
	[smem:$0x3FD2] =	sst s26  }
0x1f: {  	s5 =	sshll.u32 s27, $0x1;
	_ =	strace $0x80000046;
	[dreg:$0x1] =	wrdreg $0xFFFFFFFF  }
0x20: {  	s28 =	simm.s32 $_size_execute0_lowered;
	s4 =	sadd.s32 s4, s5;
	[dreg:$0x0] =	wrdreg $0x0  }
0x21: {  	s5 =	sshll.u32 s28, $0x1;
	[dreg:$0x2] =	wrdreg s4  }
0x22: {  	[dreg:$0x3] =	wrdreg s5  }
0x23: {  	[dreg:$0x4] =	wrdreg $0xC0  }
0x24: {  	_ =	task [dreg:s8], $0x5FFFF  }
0x25: {  	[dreg:$0x1] =	wrdreg $0xFFFFFFFF  }
0x26: {  	[dreg:$0x0] =	wrdreg $0x60  }
0x27: {  	[dreg:$0x2] =	wrdreg s2  }
0x28: {  	[dreg:$0x3] =	wrdreg s20  }
0x29: {  	[dreg:$0x4] =	wrdreg $0x9  }
0x2a: {  	_ =	task.clear_ibuf [dreg:s8], $0x5FFFF;
	_ =	strace $0x90000046  }
0x2b: {  	s29 =	simm.s32 $0x9;
	_ =	strace $0x80000048  }
0x2c: {  	_ =	swait.ge [sflag:s29], $0x1  }
0x2d: {  	[sflag:s29] =	ssyncadd.s32 $0xFFFFFFFF  }
0x2e: {  	_ =	strace $0x90000048  }
0x2f: {  	_ =	sfence  }
0x30: {  	s30 =	sld [smem:$0x0];
	_ =	sdelay $0x2  }
0x31: {  	s31 =	sshll.u32 s1, $0xD;
	s1 =	sshrl.u32 s1, $0x2  }
0x32: {  	s3 =	sand.u32 $0x4000, s31;
	s1 =	sadd.s32 s1, s30  }
0x33: {  	s0 =	sor.u32 s3, s0;
	s1 =	sshll.u32 s1, $0x11  }
0x34: {  	s0 =	sor.u32 s1, s0  }
0x35: {  	s0 =	sadd.s32 $0x8F2B, s0  }
0x36: {  	[sflag:s0] =	ssyncadd.remote.s32 $0x1  }
0x37: {  	_ =	sfence.sel $0xFFFF  }
0x38: {  	[dreg:$0x0] =	wrdreg $0xFFFFFFFF;
	(pc) =	sbr.abs _section_cstart, $3  }
0x39: {  	[dreg:$0x1] =	wrdreg $0xFFFFFFFF  }
0x3a: {  	_ =	task.clear_ibuf [dreg:s8], $0x2FFFF;
	_ =	strace $0x9FFFFFFF  }
0x3b: {  	(tm) =	ssettm $0x7FFFFFFF  }
tec
execute0_lowered:
.L_overlay_start_1:
0x0: {  	(tag) =	ssettag $0x1  }
0x1: {  	s0 =	srdreg.scid  }
0x2: {  	s1 =	sshll.u32 s0, $0x4  }
0x3: {  	s2 =	rddreg [dreg:$0x0];
	s0 =	stileid.u32;
	s1 =	sand.u32 $0x10, s1  }
0x4: {  	s4 =	rddreg [dreg:$0x1];
	s1 =	sor.u32 s0, s1  }
0x5: {  	s7 =	simm.s32 $0x1;
	s8 =	simm.s32 $0x2;
	s3 =	sshll.u32 s1, $0x1  }
0x6: {  	s9 =	simm.s32 $0x0;
	s12 =	simm.s32 $0x0;
	s6 =	ssub.s32 $0x400, s3  }
.Ltmp0:
0x7: {  	s11 =	simm.s32 $0x0;
	s5 =	sand.u32 $0x3E, s6;
	(pc) =	sbr.rel .LBB1_1-.Ltmp0, $4  }
0x8: {  	s1 =	rddreg [dreg:$0x2];
	_ =	strace $0x80000047;
	p0 =	sne.s32 s5, $0x0  }
0x9: {  	s6 =	sshrl.u32 s6, $0x6;
	s5 =	simm.s32 $0x1;
	s7 =	simm.s32 @!p0 $0x0  }
0xa: {  	s10 =	smov.u32 s3;
	[sflag:s5] =	ssyncpa.u1 $0x0;
	s6 =	sadd.s32 s7, s6  }
0xb: {  	[sflag:s8] =	ssyncpa.u1 $0x0;
	s8 =	simm.s32 $0x0;
	s7 =	sadd.s32 $0x1, s6  }
.LBB1_9:
0xc: {  	s14 =	sadd.s32 $0x40, s10  }
0xd: {  	p1 =	sgt.s32 s14, $0x3FF  }
0xe: {  	s14 =	smov.u32 @p1 s3;
	p1 =	sne.s32 s11, s7  }
.Ltmp1:
0xf: {  	p0 =	slt.u32 s11, $0x2;
	(pc) =	sbr.rel @!p1 .LBB1_10-.Ltmp1, $4  }
0x10: {  	s13 =	simm.s32 @!p0 $0x2  }
0x11: {  	s15 =	sadd.s32 $0x1, s11;
	_ =	swait.ge @!p0 [sflag:s13], $0x4000  }
0x12: {  	s12 =	smov.u32 s10;
	s9 =	sadd.s32 $0x4000, s9;
	[sflag:s13] =	ssyncset.done @!p0 $0x0  }
0x13: {  	s11 =	smov.u32 s15;
	s10 =	smov.u32 s14;
	[sflag:s13] =	ssyncadd.s32 @!p0 $0xFFFFC000  }
.LBB1_1:
0x14: {  	p0 =	sge.u32 s11, s6  }
0x15: {  	s13 =	sxor.u32 @!p0 $0xFFFFFFFF, s11  }
0x16: {  	s31 =	sadd.s32 $0xFFFFFFFF, s11;
	s14 =	sshll.u32 @!p0 s10, $0xA;
	s13 =	sshll.u32 @!p0 s13, $0xE  }
0x17: {  	s15 =	simm.s32 @!p0 $0x0;
	s14 =	sadd.s32 @!p0 s2, s14;
	s13 =	sand.u32 @!p0 $0x4000, s13  }
0x18: {  	[tilespmem:s13], [sflag:$0x1] =	stream.linear.gather @!p0 [hbm4b:s14+s15], $0x4000, $0x38;
	[tilespmem:$0x10000] =	vst v63  }
0x19: {  	p0 =	sge.u32 s31, s6  }
.Ltmp2:
0x1a: {  	_ = 	snop;
	(pc) =	sbr.rel @p0 .LBB1_9-.Ltmp2, $1  }
0x1b: {  	_ =	sdelay $0x3  }
0x1c: {  	s13 =	sshll.u32 s9, $0x2  }
0x1d: {  	_ =	swait.ge [sflag:s5], $0x4000;
	s14 =	sshll.u32 s11, $0xE;
	s16 =	simm.s32 $0x0  }
0x1e: {  	p1 =	por $0x1, $0x1;
	s13 =	sand.u32 $0x10000, s13;
	[sflag:s5] =	ssyncset.done $0x0  }
0x1f: {  	s14 =	sand.u32 $0x4000, s14;
	s15 =	sshrl.u32 s13, $0x2;
	[sflag:s5] =	ssyncadd.s32 $0xFFFFC000  }
0x20: {  	s13 =	sor.u32 $0x8000, s14;
	s14 =	sadd.s32 $0x8040, s15;
	s15 =	sadd.s32 $0x40, s15  }
.LBB1_3:
0x21: {  	s16 =	sshll.u32 s16, $0x2  }
0x22: {  	p0 =	por p1, p1;
	s17 =	sshra.s32 s16, $0x2  }
0x23: {  	s18 =	simm.s32 $0x0;
	s16 =	sadd.s32 s17, s14;
	s17 =	sadd.s32 s17, s15  }
.LBB1_4:
0x24: {  	v0 =	vmov s17;
	_ =	sdelay $0x3  }
0x25: {  	s20 =	simm.s32 $0x0  }
0x26: {  	v6 =	vld.idx.msk [tilespmem:v0+s20+$0x30 ss:$0x1], $0xffff  }
0x27: {  	v7 =	vld.idx.msk [tilespmem:v0+s20+$0xFFFFFFC0 ss:$0x1], $0xffff  }
0x28: {  	v5 =	vld.idx.msk [tilespmem:v0+s20+$0xFFFFFFD0 ss:$0x1], $0xffff  }
0x29: {  	v4 =	vld.idx.msk [tilespmem:v0+s20+$0xFFFFFFE0 ss:$0x1], $0xffff  }
0x2a: {  	v3 =	vld.idx.msk [tilespmem:v0+s20+$0xFFFFFFF0 ss:$0x1], $0xffff  }
0x2b: {  	v1 =	vld.idx.msk [tilespmem:v0+s20+$0x0 ss:$0x1], $0xffff  }
0x2c: {  	v2 =	vld.idx.msk [tilespmem:v0+s20+$0x10 ss:$0x1], $0xffff;
	[tilespmem:s16+$0x30] =	vst v6  }
0x2d: {  	s19 =	simm.s32 $0x80;
	s21 =	simm.s32 $0x400;
	[tilespmem:s16+$0xFFFFFFC0] =	vst v7;
	v6 =	vld.idx.msk [tilespmem:v0+s20+$0x20 ss:$0x1], $0xffff;
	s20 =	smov.u32 s16  }
.LBB1_5:
0x2e: {  	p1 =	sne.s32 s21, $0xE00;
	v7 =	vld.idx.msk [tilespmem:v0+s19+$0x30 ss:$0x1], $0xffff;
	[tilespmem:s20+$0xFFFFFFD0] =	vst v5  }
0x2f: {  	v8 =	vld.idx.msk [tilespmem:v0+s19+$0xFFFFFFC0 ss:$0x1], $0xffff;
	[tilespmem:s20+$0xFFFFFFE0] =	vst v4  }
0x30: {  	v5 =	vld.idx.msk [tilespmem:v0+s19+$0xFFFFFFD0 ss:$0x1], $0xffff;
	[tilespmem:s20+$0xFFFFFFF0] =	vst v3  }
.Ltmp3:
0x31: {  	v4 =	vld.idx.msk [tilespmem:v0+s19+$0xFFFFFFE0 ss:$0x1], $0xffff;
	[tilespmem:s20+$0x0] =	vst v1;
	(pc) =	sbr.rel @p1 .LBB1_5-.Ltmp3, $4  }
0x32: {  	v3 =	vld.idx.msk [tilespmem:v0+s19+$0xFFFFFFF0 ss:$0x1], $0xffff;
	[tilespmem:s20+$0x10] =	vst v2  }
0x33: {  	v1 =	vld.idx.msk [tilespmem:v0+s19+$0x0 ss:$0x1], $0xffff;
	[tilespmem:s20+$0x20] =	vst v6;
	s20 =	sadd.s32 $0x400, s20  }
0x34: {  	v2 =	vld.idx.msk [tilespmem:v0+s19+$0x10 ss:$0x1], $0xffff;
	[tilespmem:s20+$0x30] =	vst v7  }
0x35: {  	[tilespmem:s20+$0xFFFFFFC0] =	vst v8;
	v6 =	vld.idx.msk [tilespmem:v0+s19+$0x20 ss:$0x1], $0xffff;
	s19 =	sshra.s32 s21, $0x2;
	s21 =	sadd.s32 $0x200, s21  }
0x36: {  	_ =	sdelay $0x2  }
0x37: {  	[tilespmem:s20+$0xFFFFFFD0] =	vst v5  }
0x38: {  	v56 =	vld.idx.msk [tilespmem:v0+s19+$0x30 ss:$0x1], $0xffff;
	[tilespmem:s20+$0xFFFFFFE0] =	vst v4  }
0x39: {  	v57 =	vld.idx.msk [tilespmem:v0+s19+$0xFFFFFFC0 ss:$0x1], $0xffff;
	[tilespmem:s20+$0xFFFFFFF0] =	vst v3  }
0x3a: {  	v58 =	vld.idx.msk [tilespmem:v0+s19+$0xFFFFFFD0 ss:$0x1], $0xffff;
	[tilespmem:s20+$0x0] =	vst v1  }
0x3b: {  	v59 =	vld.idx.msk [tilespmem:v0+s19+$0xFFFFFFE0 ss:$0x1], $0xffff;
	[tilespmem:s20+$0x10] =	vst v2  }
0x3c: {  	v60 =	vld.idx.msk [tilespmem:v0+s19+$0xFFFFFFF0 ss:$0x1], $0xffff;
	s31 =	sadd.s32 $0x400, s20;
	[tilespmem:s20+$0x20] =	vst v6  }
0x3d: {  	v61 =	vld.idx.msk [tilespmem:v0+s19+$0x0 ss:$0x1], $0xffff;
	[tilespmem:s31+$0x30] =	vst v56  }
0x3e: {  	v62 =	vld.idx.msk [tilespmem:v0+s19+$0x10 ss:$0x1], $0xffff;
	s18 =	sadd.s32 $0x1, s18;
	[tilespmem:s31+$0xFFFFFFC0] =	vst v57  }
0x3f: {  	v63 =	vld.idx.msk [tilespmem:v0+s19+$0x20 ss:$0x1], $0xffff;
	p1 =	sne.s32 s18, $0x8;
	[tilespmem:s31+$0xFFFFFFD0] =	vst v58  }
.Ltmp4:
0x40: {  	[tilespmem:s31+$0xFFFFFFE0] =	vst v59;
	(pc) =	sbr.rel @p1 .LBB1_4-.Ltmp4, $4  }
0x41: {  	[tilespmem:s31+$0xFFFFFFF0] =	vst v60  }
0x42: {  	[tilespmem:s31+$0x0] =	vst v61  }
0x43: {  	[tilespmem:s31+$0x10] =	vst v62  }
0x44: {  	s16 =	sadd.s32 $0x80, s16;
	s17 =	sadd.s32 $0x400, s17;
	[tilespmem:s31+$0x20] =	vst v63  }
.Ltmp5:
0x45: {  	(pc) =	sbr.rel @p0 .LBB1_3-.Ltmp5, $2  }
0x46: {  	_ =	sdelay $0x2  }
0x47: {  	s16 =	simm.s32 $0x2000;
	p1 =	por $0x0, $0x0  }
.Ltmp6:
0x48: {  	(pc) =	sbr.rel .LBB1_9-.Ltmp6, $4  }
0x49: {  	_ = 	snop  }
0x4a: {  	s12 =	sshll.u32 s12, $0xA  }
0x4b: {  	s12 =	sadd.s32 s4, s12  }
0x4c: {  	[hbm4b:s12+s8] =	stream.linear.scatter [tilespmem:s13], [sflag:$0x2], $0x4000, $0x38;
	[tilespmem:$0x10000] =	vst v63  }
.LBB1_10:
0x4d: {  	_ =	sfence.sel $0x180000  }
0x4e: {  	s2 =	simm.s32 $0x1;
	[bflag:$0x0] =	sbarrier.arrive $0xFFFF  }
0x4f: {  	s31 =	simm.s32 $0x2;
	[sflag:s2] =	ssyncpa.u1 $0x1  }
0x50: {  	[sflag:s31] =	ssyncpa.u1 $0x1  }
0x51: {  	p0 =	sne.s32 s0, $0x0;
	_ =	strace $0x90000047  }
0x52: {  	s0 =	sadd.s32 @!p0 $0x100000, s1;
	[bflag:$0x2] =	sbarrier.arrive $0xFFFF  }
0x53: {  	[sflag:s0] =	ssyncadd.tile.s32 @!p0 $0x1;
	_ =	shalt  }
.Lfunc_end1:
_tile_overlayer_lowered:
.L_overlay_start_2:
0x54: {  	(tag) =	ssettag $0x2  }
0x55: {  	s0 =	rddreg [dreg:$0x0];
	s2 =	stileid.u32  }
0x56: {  	s1 =	rddreg [dreg:$0x1];
	p0 =	sne.s32 s2, $0x0  }
0x57: {  	s3 =	rddreg [dreg:$0x2];
	[bflag:$0x3] =	sbarrier.arrive $0xFFFF;
	s2 =	simm.s32 @!p0 $0x1C01  }
0x58: {  	[timem:s3], [sflag:s2] =	dma.local @!p0 [hbm:s0], s1  }
0x59: {  	s0 =	simm.s32 @!p0 $0x1  }
0x5a: {  	_ =	swait.ge @!p0 [sflag:s0], s1  }
0x5b: {  	s1 =	ssub.s32 @!p0 $0x0, s1;
	[sflag:s0] =	ssyncset.done @!p0 $0x0  }
0x5c: {  	[sflag:s0] =	ssyncadd.s32 @!p0 s1  }
0x5d: {  	[bflag:$0x3] =	sbarrier.arrive $0xFFFF  }
0x5e: {  	_ =	shalt  }

</sc_bundles>
